<compile_context>
chip_gen: v7x
topology: tpu7x:2x2x1
jax: 0.10.2.dev20260603
libtpu: 0.0.44.dev20260713+nightly
codegen_flags: <defaults>
</compile_context>

<pallas_src>
import functools

import jax
import jax.numpy as jnp
from jax import lax
from jax.experimental import pallas as pl
from jax.experimental.pallas import tpu as pltpu
from jax.experimental.pallas import tpu_sc as plsc

D = 128
LANES = 16
NC, NS = 2, 16
NW = NC * NS
CHUNK = 128
GRP = 8


def _sc_partial(x, srcp, dstp, wp, cpw, n_acc):
    rows_per_tile = n_acc // NS
    ngr = cpw // GRP
    mesh = plsc.VectorSubcoreMesh(core_axis_name="c", subcore_axis_name="s")

    @functools.partial(
        pl.kernel,
        out_type=jax.ShapeDtypeStruct((NC, n_acc, D), jnp.float32),
        mesh=mesh,
        scratch_types=[
            pltpu.VMEM((cpw + 2, CHUNK), jnp.int32),
            pltpu.VMEM((2 * GRP, CHUNK), jnp.int32),
            pltpu.VMEM((2 * GRP * CHUNK,), jnp.float32),
            pltpu.VMEM((CHUNK, D), jnp.float32),
            pltpu.VMEM((CHUNK, D), jnp.float32),
            pltpu.VMEM_SHARED((n_acc, D), jnp.float32),
            pltpu.SemaphoreType.DMA,
            pltpu.SemaphoreType.DMA,
            pltpu.SemaphoreType.DMA,
            pltpu.SemaphoreType.DMA,
        ],
        compiler_params=pltpu.CompilerParams(needs_layout_passes=False),
    )
    def k(x_hbm, src_hbm, dst_hbm, w_hbm, part_hbm,
          sidx_v, didx_b, w_b, rows0, rows1, acc_sh, sem0, sem1, semi, semd):
        c = lax.axis_index("c")
        s = lax.axis_index("s")
        wid = c * NS + s

        pltpu.sync_copy(src_hbm.at[wid], sidx_v)

        def fire_idx(g):
            p = lax.rem(g, 2)
            pltpu.async_copy(w_hbm.at[wid, pl.ds(g * GRP * CHUNK, GRP * CHUNK)],
                             w_b.at[pl.ds(p * GRP * CHUNK, GRP * CHUNK)], semi)
            pltpu.async_copy(dst_hbm.at[wid, pl.ds(g * GRP, GRP)],
                             didx_b.at[pl.ds(p * GRP, GRP)], semd)

        def drain_idx(g):
            p = lax.rem(g, 2)
            pltpu.make_async_copy(w_hbm.at[wid, pl.ds(g * GRP * CHUNK, GRP * CHUNK)],
                                  w_b.at[pl.ds(p * GRP * CHUNK, GRP * CHUNK)],
                                  semi).wait()
            pltpu.make_async_copy(dst_hbm.at[wid, pl.ds(g * GRP, GRP)],
                                  didx_b.at[pl.ds(p * GRP, GRP)], semd).wait()

        fire_idx(0)

        def zfill(r, _):
            for j in range(D // LANES):
                rows0[r, pl.ds(j * LANES, LANES)] = jnp.zeros((LANES,), jnp.float32)
            return 0
        lax.fori_loop(0, CHUNK, zfill, 0)

        def zcopy(kk, _):
            pltpu.sync_copy(
                rows0, acc_sh.at[pl.ds(s * rows_per_tile + kk * CHUNK, CHUNK)])
            return 0
        lax.fori_loop(0, rows_per_tile // CHUNK, zcopy, 0)
        plsc.subcore_barrier()

        def sidx(ci):
            return sidx_v.at[ci]

        def fire_row(ci, buf, sem):
            pltpu.async_copy(x_hbm.at[sidx(ci)], buf, sem)

        def wait_row(ci, buf, sem):
            pltpu.make_async_copy(x_hbm.at[sidx(ci)], buf, sem).wait()

        def scale(buf, lc):
            wbase = lc * CHUNK

            def scale8(q, _):
                base = wbase + q * 8
                ws = [plsc.load_gather(
                          w_b, [jnp.full((LANES,), base + u, jnp.int32)])
                      for u in range(8)]
                for u in range(8):
                    e = q * 8 + u
                    for j in range(D // LANES):
                        sl = pl.ds(j * LANES, LANES)
                        buf[e, sl] = buf[e, sl] * ws[u]
                return 0
            lax.fori_loop(0, CHUNK // 8, scale8, 0)

        def process(buf, lc):
            scale(buf, lc)
            pltpu.sync_copy(buf, acc_sh.at[didx_b.at[lc]], add=True)

        fire_row(0, rows0, sem0)

        def group(g, _):
            p = lax.rem(g, 2)
            drain_idx(g)
            fire_idx(g + 1)

            def pair(j, _):
                ci0 = g * GRP + 2 * j
                lc0 = p * GRP + 2 * j
                fire_row(ci0 + 1, rows1, sem1)
                wait_row(ci0, rows0, sem0)
                process(rows0, lc0)
                fire_row(ci0 + 2, rows0, sem0)
                wait_row(ci0 + 1, rows1, sem1)
                process(rows1, lc0 + 1)
                return 0
            lax.fori_loop(0, GRP // 2, pair, 0)
            return 0
        lax.fori_loop(0, ngr, group, 0)

        wait_row(ngr * GRP, rows0, sem0)
        drain_idx(ngr)
        plsc.subcore_barrier()

        pltpu.sync_copy(
            acc_sh.at[pl.ds(s * rows_per_tile, rows_per_tile)],
            part_hbm.at[c, pl.ds(s * rows_per_tile, rows_per_tile)])

    return k(x, srcp, dstp, wp)


def _finish_body(p0_ref, p1_ref, b_ref, o_ref):
    o_ref[...] = jnp.maximum(p0_ref[...] + p1_ref[...] + b_ref[...], 0.0)


def kernel(x, edge_index, w, bias):
    n_nodes = x.shape[0]
    e = w.shape[0]
    n_chunks = -(-e // CHUNK)
    cpw = -(-n_chunks // NW)
    cpw = -(-cpw // (2 * GRP)) * (2 * GRP)
    e_pad = cpw * NW * CHUNK
    pad = e_pad - e

    src = jnp.pad(edge_index[0], (0, pad)).reshape(NW, cpw, CHUNK)
    src = jnp.pad(src, ((0, 0), (0, 2), (0, 0)))
    dst = jnp.pad(edge_index[1], (0, pad)).reshape(NW, cpw, CHUNK)
    dst = jnp.pad(dst, ((0, 0), (0, 2 * GRP), (0, 0)))
    wp = jnp.pad(w, (0, pad)).reshape(NW, cpw * CHUNK)
    wp = jnp.pad(wp, ((0, 0), (0, 2 * GRP * CHUNK)))

    n_acc = -(-n_nodes // (NS * CHUNK)) * (NS * CHUNK)
    partial = _sc_partial(x, src, dst, wp, cpw, n_acc)

    blk = 1000
    grid = n_nodes // blk
    out = pl.pallas_call(
        _finish_body,
        grid=(grid,),
        in_specs=[
            pl.BlockSpec((blk, D), lambda i: (i, 0)),
            pl.BlockSpec((blk, D), lambda i: (i, 0)),
            pl.BlockSpec((blk, 1), lambda i: (i, 0)),
        ],
        out_specs=pl.BlockSpec((blk, D), lambda i: (i, 0)),
        out_shape=jax.ShapeDtypeStruct((n_nodes, D), jnp.float32),
    )(partial[0, :n_nodes], partial[1, :n_nodes], bias[:, None])
    return out

# --- scband reference (transcript-rebuilt; emitter-appended) ---
"""Pipeline reference for scband-network-5772436046487 (READ-ONLY COPY).

The authoritative reference and input builder live on the scoring server;
editing this copy changes nothing except your own understanding.
"""

import jax, jax.numpy as jnp
import numpy as np

N_NODES = 10000
N_EDGES = 320000
D_FEAT = 128


def setup_inputs(seed: int = 0) -> dict:
    key = jax.random.key(seed)
    k1, k2, k3, k4 = jax.random.split(key, 4)
    x = jax.random.normal(k1, (N_NODES, D_FEAT), dtype=jnp.float32)
    edge_index = jax.random.randint(k2, (2, N_EDGES), 0, N_NODES, dtype=jnp.int32)
    # edge-level synaptic strength (syn_strength * syn_count * sign collapsed)
    w = jax.random.uniform(k3, (N_EDGES,), dtype=jnp.float32)
    # node-level resting potential bias
    bias = jax.random.normal(k4, (N_NODES,), dtype=jnp.float32) * 0.05 + 0.5
    return {"x": x, "edge_index": edge_index, "w": w, "bias": bias}


def reference(x, edge_index, w, bias):
    # Connectome-constrained message passing step:
    # 1) gather source node states across edges (_source_gather)
    # 2) scale by edge synaptic strength (dynamics currents)
    # 3) scatter-sum currents onto target nodes (target_sum)
    # 4) add resting-potential bias and apply relu activation (PPNeuronIGRSynapses)
    src = edge_index[0]
    dst = edge_index[1]
    src_states = jnp.take(x, src, axis=0)            # (E, D) gather
    currents = src_states * w[:, None]               # (E, D) edge currents
    summed = jax.ops.segment_sum(currents, dst, num_segments=x.shape[0])  # (N, D) scatter-add
    out = jax.nn.relu(summed + bias[:, None])
    return out

if __name__ == "__main__":
    import jax
    _d = setup_inputs()
    print(jax.jit(kernel)(*tuple(_d.values())))

</pallas_src>

<mosaic_0001>
#map = affine_map<(d0, d1) -> (0, 0)>
#map1 = affine_map<(d0, d1) -> (0, 0, 0)>
module attributes {stable_mosaic.version = 14 : i64} {
  func.func @k(%arg0: i32, %arg1: i32, %arg2: memref<10000x128xf32, #tpu.memory_space<hbm>>, %arg3: memref<32x82x128xi32, #tpu.memory_space<hbm>>, %arg4: memref<32x96x128xi32, #tpu.memory_space<hbm>>, %arg5: memref<32x12288xf32, #tpu.memory_space<hbm>>, %arg6: memref<2x10240x128xf32, #tpu.memory_space<hbm>>, %arg7: memref<82x128xi32, #tpu.memory_space<vmem>>, %arg8: memref<16x128xi32, #tpu.memory_space<vmem>>, %arg9: memref<2048xf32, #tpu.memory_space<vmem>>, %arg10: memref<128x128xf32, #tpu.memory_space<vmem>>, %arg11: memref<128x128xf32, #tpu.memory_space<vmem>>, %arg12: memref<10240x128xf32, #tpu.memory_space<vmem_shared>>, %arg13: memref<!tpu.dma_semaphore, #tpu.memory_space<semaphore_mem>>, %arg14: memref<!tpu.dma_semaphore, #tpu.memory_space<semaphore_mem>>, %arg15: memref<!tpu.dma_semaphore, #tpu.memory_space<semaphore_mem>>, %arg16: memref<!tpu.dma_semaphore, #tpu.memory_space<semaphore_mem>>) attributes {dimension_semantics = [#tpu.dimension_semantics<core_parallel>, #tpu.dimension_semantics<subcore_parallel>], iteration_bounds = array<i64: 2, 16>, scalar_prefetch = 0 : i64, scratch_operands = 10 : i64, tpu.core_type = #tpu.core_type<sc_vector_subcore>, window_params = [{transform_indices = #map}, {transform_indices = #map1}, {transform_indices = #map1}, {transform_indices = #map}, {transform_indices = #map1}]} {
    %mul3A = arith.constant 16 : i32
    %mul3A_0 = arith.muli %arg0, %mul3A : i32
    %add3A = arith.addi %mul3A_0, %arg1 : i32
    "tpu.region"() ({
      %run_scoped3A = tpu.sem_alloc : memref<!tpu.dma_semaphore, #tpu.memory_space<semaphore_mem>>
      %dma_start3A_95 = arith.constant 0 : i32
      %dma_start3A_96 = arith.constant 0 : i32
      %dma_start3A_97 = tpu.memref_slice %arg3[%add3A, %dma_start3A_95, %dma_start3A_96] : memref<32x82x128xi32, #tpu.memory_space<hbm>> -> memref<1x82x128xi32, #tpu.memory_space<hbm>>
      %dma_start3A_98 = tpu.memref_squeeze %dma_start3A_97 : memref<1x82x128xi32, #tpu.memory_space<hbm>> -> memref<82x128xi32, #tpu.memory_space<hbm>>
      %dma_start3A_99 = arith.constant 0 : i32
      %dma_start3A_100 = arith.constant 0 : i32
      %dma_start3A_101 = tpu.memref_slice %arg3[%add3A, %dma_start3A_99, %dma_start3A_100] : memref<32x82x128xi32, #tpu.memory_space<hbm>> -> memref<1x82x128xi32, #tpu.memory_space<hbm>>
      %dma_start3A_102 = tpu.memref_squeeze %dma_start3A_101 : memref<1x82x128xi32, #tpu.memory_space<hbm>> -> memref<82x128xi32, #tpu.memory_space<hbm>>
      tpu.enqueue_dma source(%dma_start3A_102 : memref<82x128xi32, #tpu.memory_space<hbm>>) target(%arg7 : memref<82x128xi32, #tpu.memory_space<vmem>>) target_semaphore(%run_scoped3A : memref<!tpu.dma_semaphore, #tpu.memory_space<semaphore_mem>>)
      %dma_wait3A_103 = arith.constant 0 : i32
      %dma_wait3A_104 = arith.constant 0 : i32
      %dma_wait3A_105 = tpu.memref_slice %arg3[%add3A, %dma_wait3A_103, %dma_wait3A_104] : memref<32x82x128xi32, #tpu.memory_space<hbm>> -> memref<1x82x128xi32, #tpu.memory_space<hbm>>
      %dma_wait3A_106 = tpu.memref_squeeze %dma_wait3A_105 : memref<1x82x128xi32, #tpu.memory_space<hbm>> -> memref<82x128xi32, #tpu.memory_space<hbm>>
      %dma_wait3A_107 = arith.constant 0 : i32
      %dma_wait3A_108 = arith.constant 0 : i32
      %dma_wait3A_109 = tpu.memref_slice %arg3[%add3A, %dma_wait3A_107, %dma_wait3A_108] : memref<32x82x128xi32, #tpu.memory_space<hbm>> -> memref<1x82x128xi32, #tpu.memory_space<hbm>>
      %dma_wait3A_110 = tpu.memref_squeeze %dma_wait3A_109 : memref<1x82x128xi32, #tpu.memory_space<hbm>> -> memref<82x128xi32, #tpu.memory_space<hbm>>
      tpu.wait_dma2 semaphore(%run_scoped3A : memref<!tpu.dma_semaphore, #tpu.memory_space<semaphore_mem>>) src(%dma_wait3A_110 : memref<82x128xi32, #tpu.memory_space<hbm>>) dst(%arg7 : memref<82x128xi32, #tpu.memory_space<vmem>>)
      tpu.yield
    }) : () -> ()
    %rem3A = arith.constant 0 : i32
    %rem3A_1 = arith.constant 2 : i32
    %rem3A_2 = arith.remsi %rem3A, %rem3A_1 : i32
    %mul3A_3 = arith.constant 8 : i32
    %mul3A_4 = arith.muli %rem3A_2, %mul3A_3 : i32
    %mul3A_5 = arith.constant 128 : i32
    %mul3A_6 = arith.muli %mul3A_4, %mul3A_5 : i32
    %dma_start3A = tpu.memref_slice %arg9[%mul3A_6] : memref<2048xf32, #tpu.memory_space<vmem>> -> memref<1024xf32, #tpu.memory_space<vmem>>
    %dma_start3A_7 = arith.constant 0 : i32
    %dma_start3A_8 = tpu.memref_slice %arg5[%add3A, %dma_start3A_7] : memref<32x12288xf32, #tpu.memory_space<hbm>> -> memref<1x1024xf32, #tpu.memory_space<hbm>>
    %dma_start3A_9 = tpu.memref_squeeze %dma_start3A_8 : memref<1x1024xf32, #tpu.memory_space<hbm>> -> memref<1024xf32, #tpu.memory_space<hbm>>
    %dma_start3A_10 = tpu.memref_slice %arg9[%mul3A_6] : memref<2048xf32, #tpu.memory_space<vmem>> -> memref<1024xf32, #tpu.memory_space<vmem>>
    %dma_start3A_11 = arith.constant 0 : i32
    %dma_start3A_12 = tpu.memref_slice %arg5[%add3A, %dma_start3A_11] : memref<32x12288xf32, #tpu.memory_space<hbm>> -> memref<1x1024xf32, #tpu.memory_space<hbm>>
    %dma_start3A_13 = tpu.memref_squeeze %dma_start3A_12 : memref<1x1024xf32, #tpu.memory_space<hbm>> -> memref<1024xf32, #tpu.memory_space<hbm>>
    tpu.enqueue_dma source(%dma_start3A_13 : memref<1024xf32, #tpu.memory_space<hbm>>) target(%dma_start3A_10 : memref<1024xf32, #tpu.memory_space<vmem>>) target_semaphore(%arg15 : memref<!tpu.dma_semaphore, #tpu.memory_space<semaphore_mem>>)
    %mul3A_14 = arith.constant 8 : i32
    %mul3A_15 = arith.muli %rem3A_2, %mul3A_14 : i32
    %dma_start3A_16 = arith.constant 0 : i32
    %dma_start3A_17 = tpu.memref_slice %arg8[%mul3A_15, %dma_start3A_16] : memref<16x128xi32, #tpu.memory_space<vmem>> -> memref<8x128xi32, #tpu.memory_space<vmem>>
    %dma_start3A_18 = arith.constant 0 : i32
    %dma_start3A_19 = arith.constant 0 : i32
    %dma_start3A_20 = tpu.memref_slice %arg4[%add3A, %dma_start3A_18, %dma_start3A_19] : memref<32x96x128xi32, #tpu.memory_space<hbm>> -> memref<1x8x128xi32, #tpu.memory_space<hbm>>
    %dma_start3A_21 = tpu.memref_squeeze %dma_start3A_20 : memref<1x8x128xi32, #tpu.memory_space<hbm>> -> memref<8x128xi32, #tpu.memory_space<hbm>>
    %dma_start3A_22 = arith.constant 0 : i32
    %dma_start3A_23 = tpu.memref_slice %arg8[%mul3A_15, %dma_start3A_22] : memref<16x128xi32, #tpu.memory_space<vmem>> -> memref<8x128xi32, #tpu.memory_space<vmem>>
    %dma_start3A_24 = arith.constant 0 : i32
    %dma_start3A_25 = arith.constant 0 : i32
    %dma_start3A_26 = tpu.memref_slice %arg4[%add3A, %dma_start3A_24, %dma_start3A_25] : memref<32x96x128xi32, #tpu.memory_space<hbm>> -> memref<1x8x128xi32, #tpu.memory_space<hbm>>
    %dma_start3A_27 = tpu.memref_squeeze %dma_start3A_26 : memref<1x8x128xi32, #tpu.memory_space<hbm>> -> memref<8x128xi32, #tpu.memory_space<hbm>>
    tpu.enqueue_dma source(%dma_start3A_27 : memref<8x128xi32, #tpu.memory_space<hbm>>) target(%dma_start3A_23 : memref<8x128xi32, #tpu.memory_space<vmem>>) target_semaphore(%arg16 : memref<!tpu.dma_semaphore, #tpu.memory_space<semaphore_mem>>)
    %scan3A = arith.constant 0 : i32
    %scan3A_28 = arith.constant 0 : i32
    %scan3A_29 = arith.constant 128 : i32
    %scan3A_30 = arith.addi %scan3A_28, %scan3A_29 : i32
    %scan3A_31 = arith.constant 1 : i32
    %scan3A_32 = scf.for %scan3A_95 = %scan3A_28 to %scan3A_30 step %scan3A_31 iter_args(%scan3A_96 = %scan3A) -> (i32)  : i32 {
      %broadcast_in_dim3A = arith.constant 0.000000e+00 : f32
      %broadcast_in_dim3A_97 = vector.broadcast %broadcast_in_dim3A : f32 to vector<16xf32>
      %swap3A = arith.index_cast %scan3A_95 : i32 to index
      %swap3A_98 = arith.constant 0 : index
      %swap3A_99 = tpu.vector_load %arg10[%swap3A, %swap3A_98] {strides = array<i32>} : memref<128x128xf32, #tpu.memory_space<vmem>>, vector<16xf32>,
      tpu.vector_store %arg10[%swap3A, %swap3A_98], %broadcast_in_dim3A_97 {strides = array<i32>} : memref<128x128xf32, #tpu.memory_space<vmem>>, vector<16xf32>,
      %broadcast_in_dim3A_100 = arith.constant 0.000000e+00 : f32
      %broadcast_in_dim3A_101 = vector.broadcast %broadcast_in_dim3A_100 : f32 to vector<16xf32>
      %swap3A_102 = arith.index_cast %scan3A_95 : i32 to index
      %swap3A_103 = arith.constant 16 : index
      %swap3A_104 = tpu.vector_load %arg10[%swap3A_102, %swap3A_103] {strides = array<i32>} : memref<128x128xf32, #tpu.memory_space<vmem>>, vector<16xf32>,
      tpu.vector_store %arg10[%swap3A_102, %swap3A_103], %broadcast_in_dim3A_101 {strides = array<i32>} : memref<128x128xf32, #tpu.memory_space<vmem>>, vector<16xf32>,
      %broadcast_in_dim3A_105 = arith.constant 0.000000e+00 : f32
      %broadcast_in_dim3A_106 = vector.broadcast %broadcast_in_dim3A_105 : f32 to vector<16xf32>
      %swap3A_107 = arith.index_cast %scan3A_95 : i32 to index
      %swap3A_108 = arith.constant 32 : index
      %swap3A_109 = tpu.vector_load %arg10[%swap3A_107, %swap3A_108] {strides = array<i32>} : memref<128x128xf32, #tpu.memory_space<vmem>>, vector<16xf32>,
      tpu.vector_store %arg10[%swap3A_107, %swap3A_108], %broadcast_in_dim3A_106 {strides = array<i32>} : memref<128x128xf32, #tpu.memory_space<vmem>>, vector<16xf32>,
      %broadcast_in_dim3A_110 = arith.constant 0.000000e+00 : f32
      %broadcast_in_dim3A_111 = vector.broadcast %broadcast_in_dim3A_110 : f32 to vector<16xf32>
      %swap3A_112 = arith.index_cast %scan3A_95 : i32 to index
      %swap3A_113 = arith.constant 48 : index
      %swap3A_114 = tpu.vector_load %arg10[%swap3A_112, %swap3A_113] {strides = array<i32>} : memref<128x128xf32, #tpu.memory_space<vmem>>, vector<16xf32>,
      tpu.vector_store %arg10[%swap3A_112, %swap3A_113], %broadcast_in_dim3A_111 {strides = array<i32>} : memref<128x128xf32, #tpu.memory_space<vmem>>, vector<16xf32>,
      %broadcast_in_dim3A_115 = arith.constant 0.000000e+00 : f32
      %broadcast_in_dim3A_116 = vector.broadcast %broadcast_in_dim3A_115 : f32 to vector<16xf32>
      %swap3A_117 = arith.index_cast %scan3A_95 : i32 to index
      %swap3A_118 = arith.constant 64 : index
      %swap3A_119 = tpu.vector_load %arg10[%swap3A_117, %swap3A_118] {strides = array<i32>} : memref<128x128xf32, #tpu.memory_space<vmem>>, vector<16xf32>,
      tpu.vector_store %arg10[%swap3A_117, %swap3A_118], %broadcast_in_dim3A_116 {strides = array<i32>} : memref<128x128xf32, #tpu.memory_space<vmem>>, vector<16xf32>,
      %broadcast_in_dim3A_120 = arith.constant 0.000000e+00 : f32
      %broadcast_in_dim3A_121 = vector.broadcast %broadcast_in_dim3A_120 : f32 to vector<16xf32>
      %swap3A_122 = arith.index_cast %scan3A_95 : i32 to index
      %swap3A_123 = arith.constant 80 : index
      %swap3A_124 = tpu.vector_load %arg10[%swap3A_122, %swap3A_123] {strides = array<i32>} : memref<128x128xf32, #tpu.memory_space<vmem>>, vector<16xf32>,
      tpu.vector_store %arg10[%swap3A_122, %swap3A_123], %broadcast_in_dim3A_121 {strides = array<i32>} : memref<128x128xf32, #tpu.memory_space<vmem>>, vector<16xf32>,
      %broadcast_in_dim3A_125 = arith.constant 0.000000e+00 : f32
      %broadcast_in_dim3A_126 = vector.broadcast %broadcast_in_dim3A_125 : f32 to vector<16xf32>
      %swap3A_127 = arith.index_cast %scan3A_95 : i32 to index
      %swap3A_128 = arith.constant 96 : index
      %swap3A_129 = tpu.vector_load %arg10[%swap3A_127, %swap3A_128] {strides = array<i32>} : memref<128x128xf32, #tpu.memory_space<vmem>>, vector<16xf32>,
      tpu.vector_store %arg10[%swap3A_127, %swap3A_128], %broadcast_in_dim3A_126 {strides = array<i32>} : memref<128x128xf32, #tpu.memory_space<vmem>>, vector<16xf32>,
      %broadcast_in_dim3A_130 = arith.constant 0.000000e+00 : f32
      %broadcast_in_dim3A_131 = vector.broadcast %broadcast_in_dim3A_130 : f32 to vector<16xf32>
      %swap3A_132 = arith.index_cast %scan3A_95 : i32 to index
      %swap3A_133 = arith.constant 112 : index
      %swap3A_134 = tpu.vector_load %arg10[%swap3A_132, %swap3A_133] {strides = array<i32>} : memref<128x128xf32, #tpu.memory_space<vmem>>, vector<16xf32>,
      tpu.vector_store %arg10[%swap3A_132, %swap3A_133], %broadcast_in_dim3A_131 {strides = array<i32>} : memref<128x128xf32, #tpu.memory_space<vmem>>, vector<16xf32>,
      %scan3A_135 = arith.constant 0 : i32
      scf.yield %scan3A_135 : i32
    }
    %scan3A_33 = arith.constant 128 : i32
    %scan3A_34 = arith.constant 0 : i32
    %scan3A_35 = arith.constant 0 : i32
    %scan3A_36 = arith.constant 5 : i32
    %scan3A_37 = arith.addi %scan3A_35, %scan3A_36 : i32
    %scan3A_38 = arith.constant 1 : i32
    %scan3A_39 = scf.for %scan3A_95 = %scan3A_35 to %scan3A_37 step %scan3A_38 iter_args(%scan3A_96 = %scan3A_34) -> (i32)  : i32 {
      %mul3A_97 = arith.constant 640 : i32
      %mul3A_98 = arith.muli %arg1, %mul3A_97 : i32
      %mul3A_99 = arith.constant 128 : i32
      %mul3A_100 = arith.muli %scan3A_95, %mul3A_99 : i32
      %add3A_101 = arith.addi %mul3A_98, %mul3A_100 : i32
      "tpu.region"() ({
        %run_scoped3A = tpu.sem_alloc : memref<!tpu.dma_semaphore, #tpu.memory_space<semaphore_mem>>
        %dma_start3A_103 = arith.constant 0 : i32
        %dma_start3A_104 = tpu.memref_slice %arg12[%add3A_101, %dma_start3A_103] : memref<10240x128xf32, #tpu.memory_space<vmem_shared>> -> memref<128x128xf32, #tpu.memory_space<vmem_shared>>
        %dma_start3A_105 = arith.constant 0 : i32
        %dma_start3A_106 = tpu.memref_slice %arg12[%add3A_101, %dma_start3A_105] : memref<10240x128xf32, #tpu.memory_space<vmem_shared>> -> memref<128x128xf32, #tpu.memory_space<vmem_shared>>
        tpu.enqueue_dma source(%arg10 : memref<128x128xf32, #tpu.memory_space<vmem>>) target(%dma_start3A_106 : memref<128x128xf32, #tpu.memory_space<vmem_shared>>) target_semaphore(%run_scoped3A : memref<!tpu.dma_semaphore, #tpu.memory_space<semaphore_mem>>)
        %dma_wait3A_107 = arith.constant 0 : i32
        %dma_wait3A_108 = tpu.memref_slice %arg12[%add3A_101, %dma_wait3A_107] : memref<10240x128xf32, #tpu.memory_space<vmem_shared>> -> memref<128x128xf32, #tpu.memory_space<vmem_shared>>
        %dma_wait3A_109 = arith.constant 0 : i32
        %dma_wait3A_110 = tpu.memref_slice %arg12[%add3A_101, %dma_wait3A_109] : memref<10240x128xf32, #tpu.memory_space<vmem_shared>> -> memref<128x128xf32, #tpu.memory_space<vmem_shared>>
        tpu.wait_dma2 semaphore(%run_scoped3A : memref<!tpu.dma_semaphore, #tpu.memory_space<semaphore_mem>>) src(%arg10 : memref<128x128xf32, #tpu.memory_space<vmem>>) dst(%dma_wait3A_110 : memref<128x128xf32, #tpu.memory_space<vmem_shared>>)
        tpu.yield
      }) : () -> ()
      %scan3A_102 = arith.constant 0 : i32
      scf.yield %scan3A_102 : i32
    }
    %scan3A_40 = arith.constant 5 : i32
    %barrier3A = arith.constant 0 : index
    tpu.barrier barrier_id(%barrier3A)
    %dma_start3A_41 = arith.constant 0 : i32
    %dma_start3A_42 = arith.constant 0 : i32
    %dma_start3A_43 = tpu.memref_slice %arg7[%dma_start3A_41, %dma_start3A_42] : memref<82x128xi32, #tpu.memory_space<vmem>> -> memref<1x128xi32, #tpu.memory_space<vmem>>
    %dma_start3A_44 = tpu.memref_squeeze %dma_start3A_43 : memref<1x128xi32, #tpu.memory_space<vmem>> -> memref<128xi32, #tpu.memory_space<vmem>>
    %dma_start3A_45 = arith.constant 0 : i32
    %dma_start3A_46 = arith.constant 0 : i32
    %dma_start3A_47 = tpu.memref_slice %arg2[%dma_start3A_45, %dma_start3A_46] : memref<10000x128xf32, #tpu.memory_space<hbm>> -> memref<10000x128xf32, #tpu.memory_space<hbm>>
    tpu.enqueue_indirect_dma source(%dma_start3A_47 : memref<10000x128xf32, #tpu.memory_space<hbm>>) target(%arg10 : memref<128x128xf32, #tpu.memory_space<vmem>>) offsets(%dma_start3A_44 : memref<128xi32, #tpu.memory_space<vmem>>) semaphore(%arg13 : memref<!tpu.dma_semaphore, #tpu.memory_space<semaphore_mem>>)
    %scan3A_48 = arith.constant 0 : i32
    %scan3A_49 = arith.constant 0 : i32
    %scan3A_50 = arith.constant 10 : i32
    %scan3A_51 = arith.addi %scan3A_49, %scan3A_50 : i32
    %scan3A_52 = arith.constant 1 : i32
    %scan3A_53 = scf.for %scan3A_95 = %scan3A_49 to %scan3A_51 step %scan3A_52 iter_args(%scan3A_96 = %scan3A_48) -> (i32)  : i32 {
      %rem3A_97 = arith.constant 2 : i32
      %rem3A_98 = arith.remsi %scan3A_95, %rem3A_97 : i32
      %rem3A_99 = arith.constant 2 : i32
      %rem3A_100 = arith.remsi %scan3A_95, %rem3A_99 : i32
      %mul3A_101 = arith.constant 8 : i32
      %mul3A_102 = arith.muli %scan3A_95, %mul3A_101 : i32
      %mul3A_103 = arith.constant 128 : i32
      %mul3A_104 = arith.muli %mul3A_102, %mul3A_103 : i32
      %mul3A_105 = arith.constant 8 : i32
      %mul3A_106 = arith.muli %rem3A_100, %mul3A_105 : i32
      %mul3A_107 = arith.constant 128 : i32
      %mul3A_108 = arith.muli %mul3A_106, %mul3A_107 : i32
      %dma_wait3A_109 = tpu.memref_slice %arg9[%mul3A_108] : memref<2048xf32, #tpu.memory_space<vmem>> -> memref<1024xf32, #tpu.memory_space<vmem>>
      %dma_wait3A_110 = tpu.memref_slice %arg5[%add3A, %mul3A_104] : memref<32x12288xf32, #tpu.memory_space<hbm>> -> memref<1x1024xf32, #tpu.memory_space<hbm>>
      %dma_wait3A_111 = tpu.memref_squeeze %dma_wait3A_110 : memref<1x1024xf32, #tpu.memory_space<hbm>> -> memref<1024xf32, #tpu.memory_space<hbm>>
      %dma_wait3A_112 = tpu.memref_slice %arg9[%mul3A_108] : memref<2048xf32, #tpu.memory_space<vmem>> -> memref<1024xf32, #tpu.memory_space<vmem>>
      %dma_wait3A_113 = tpu.memref_slice %arg5[%add3A, %mul3A_104] : memref<32x12288xf32, #tpu.memory_space<hbm>> -> memref<1x1024xf32, #tpu.memory_space<hbm>>
      %dma_wait3A_114 = tpu.memref_squeeze %dma_wait3A_113 : memref<1x1024xf32, #tpu.memory_space<hbm>> -> memref<1024xf32, #tpu.memory_space<hbm>>
      tpu.wait_dma2 semaphore(%arg15 : memref<!tpu.dma_semaphore, #tpu.memory_space<semaphore_mem>>) src(%dma_wait3A_114 : memref<1024xf32, #tpu.memory_space<hbm>>) dst(%dma_wait3A_112 : memref<1024xf32, #tpu.memory_space<vmem>>)
      %mul3A_115 = arith.constant 8 : i32
      %mul3A_116 = arith.muli %scan3A_95, %mul3A_115 : i32
      %mul3A_117 = arith.constant 8 : i32
      %mul3A_118 = arith.muli %rem3A_100, %mul3A_117 : i32
      %dma_wait3A_119 = arith.constant 0 : i32
      %dma_wait3A_120 = tpu.memref_slice %arg8[%mul3A_118, %dma_wait3A_119] : memref<16x128xi32, #tpu.memory_space<vmem>> -> memref<8x128xi32, #tpu.memory_space<vmem>>
      %dma_wait3A_121 = arith.constant 0 : i32
      %dma_wait3A_122 = tpu.memref_slice %arg4[%add3A, %mul3A_116, %dma_wait3A_121] : memref<32x96x128xi32, #tpu.memory_space<hbm>> -> memref<1x8x128xi32, #tpu.memory_space<hbm>>
      %dma_wait3A_123 = tpu.memref_squeeze %dma_wait3A_122 : memref<1x8x128xi32, #tpu.memory_space<hbm>> -> memref<8x128xi32, #tpu.memory_space<hbm>>
      %dma_wait3A_124 = arith.constant 0 : i32
      %dma_wait3A_125 = tpu.memref_slice %arg8[%mul3A_118, %dma_wait3A_124] : memref<16x128xi32, #tpu.memory_space<vmem>> -> memref<8x128xi32, #tpu.memory_space<vmem>>
      %dma_wait3A_126 = arith.constant 0 : i32
      %dma_wait3A_127 = tpu.memref_slice %arg4[%add3A, %mul3A_116, %dma_wait3A_126] : memref<32x96x128xi32, #tpu.memory_space<hbm>> -> memref<1x8x128xi32, #tpu.memory_space<hbm>>
      %dma_wait3A_128 = tpu.memref_squeeze %dma_wait3A_127 : memref<1x8x128xi32, #tpu.memory_space<hbm>> -> memref<8x128xi32, #tpu.memory_space<hbm>>
      tpu.wait_dma2 semaphore(%arg16 : memref<!tpu.dma_semaphore, #tpu.memory_space<semaphore_mem>>) src(%dma_wait3A_128 : memref<8x128xi32, #tpu.memory_space<hbm>>) dst(%dma_wait3A_125 : memref<8x128xi32, #tpu.memory_space<vmem>>)
      %add3A_129 = arith.constant 1 : i32
      %add3A_130 = arith.addi %scan3A_95, %add3A_129 : i32
      %rem3A_131 = arith.constant 2 : i32
      %rem3A_132 = arith.remsi %add3A_130, %rem3A_131 : i32
      %mul3A_133 = arith.constant 8 : i32
      %mul3A_134 = arith.muli %add3A_130, %mul3A_133 : i32
      %mul3A_135 = arith.constant 128 : i32
      %mul3A_136 = arith.muli %mul3A_134, %mul3A_135 : i32
      %mul3A_137 = arith.constant 8 : i32
      %mul3A_138 = arith.muli %rem3A_132, %mul3A_137 : i32
      %mul3A_139 = arith.constant 128 : i32
      %mul3A_140 = arith.muli %mul3A_138, %mul3A_139 : i32
      %dma_start3A_141 = tpu.memref_slice %arg9[%mul3A_140] : memref<2048xf32, #tpu.memory_space<vmem>> -> memref<1024xf32, #tpu.memory_space<vmem>>
      %dma_start3A_142 = tpu.memref_slice %arg5[%add3A, %mul3A_136] : memref<32x12288xf32, #tpu.memory_space<hbm>> -> memref<1x1024xf32, #tpu.memory_space<hbm>>
      %dma_start3A_143 = tpu.memref_squeeze %dma_start3A_142 : memref<1x1024xf32, #tpu.memory_space<hbm>> -> memref<1024xf32, #tpu.memory_space<hbm>>
      %dma_start3A_144 = tpu.memref_slice %arg9[%mul3A_140] : memref<2048xf32, #tpu.memory_space<vmem>> -> memref<1024xf32, #tpu.memory_space<vmem>>
      %dma_start3A_145 = tpu.memref_slice %arg5[%add3A, %mul3A_136] : memref<32x12288xf32, #tpu.memory_space<hbm>> -> memref<1x1024xf32, #tpu.memory_space<hbm>>
      %dma_start3A_146 = tpu.memref_squeeze %dma_start3A_145 : memref<1x1024xf32, #tpu.memory_space<hbm>> -> memref<1024xf32, #tpu.memory_space<hbm>>
      tpu.enqueue_dma source(%dma_start3A_146 : memref<1024xf32, #tpu.memory_space<hbm>>) target(%dma_start3A_144 : memref<1024xf32, #tpu.memory_space<vmem>>) target_semaphore(%arg15 : memref<!tpu.dma_semaphore, #tpu.memory_space<semaphore_mem>>)
      %mul3A_147 = arith.constant 8 : i32
      %mul3A_148 = arith.muli %add3A_130, %mul3A_147 : i32
      %mul3A_149 = arith.constant 8 : i32
      %mul3A_150 = arith.muli %rem3A_132, %mul3A_149 : i32
      %dma_start3A_151 = arith.constant 0 : i32
      %dma_start3A_152 = tpu.memref_slice %arg8[%mul3A_150, %dma_start3A_151] : memref<16x128xi32, #tpu.memory_space<vmem>> -> memref<8x128xi32, #tpu.memory_space<vmem>>
      %dma_start3A_153 = arith.constant 0 : i32
      %dma_start3A_154 = tpu.memref_slice %arg4[%add3A, %mul3A_148, %dma_start3A_153] : memref<32x96x128xi32, #tpu.memory_space<hbm>> -> memref<1x8x128xi32, #tpu.memory_space<hbm>>
      %dma_start3A_155 = tpu.memref_squeeze %dma_start3A_154 : memref<1x8x128xi32, #tpu.memory_space<hbm>> -> memref<8x128xi32, #tpu.memory_space<hbm>>
      %dma_start3A_156 = arith.constant 0 : i32
      %dma_start3A_157 = tpu.memref_slice %arg8[%mul3A_150, %dma_start3A_156] : memref<16x128xi32, #tpu.memory_space<vmem>> -> memref<8x128xi32, #tpu.memory_space<vmem>>
      %dma_start3A_158 = arith.constant 0 : i32
      %dma_start3A_159 = tpu.memref_slice %arg4[%add3A, %mul3A_148, %dma_start3A_158] : memref<32x96x128xi32, #tpu.memory_space<hbm>> -> memref<1x8x128xi32, #tpu.memory_space<hbm>>
      %dma_start3A_160 = tpu.memref_squeeze %dma_start3A_159 : memref<1x8x128xi32, #tpu.memory_space<hbm>> -> memref<8x128xi32, #tpu.memory_space<hbm>>
      tpu.enqueue_dma source(%dma_start3A_160 : memref<8x128xi32, #tpu.memory_space<hbm>>) target(%dma_start3A_157 : memref<8x128xi32, #tpu.memory_space<vmem>>) target_semaphore(%arg16 : memref<!tpu.dma_semaphore, #tpu.memory_space<semaphore_mem>>)
      %scan3A_161 = arith.constant 0 : i32
      %scan3A_162 = arith.constant 0 : i32
      %scan3A_163 = arith.constant 4 : i32
      %scan3A_164 = arith.addi %scan3A_162, %scan3A_163 : i32
      %scan3A_165 = arith.constant 1 : i32
      %scan3A_166 = scf.for %scan3A_169 = %scan3A_162 to %scan3A_164 step %scan3A_165 iter_args(%scan3A_170 = %scan3A_161) -> (i32)  : i32 {
        %mul3A_171 = arith.constant 8 : i32
        %mul3A_172 = arith.muli %scan3A_95, %mul3A_171 : i32
        %mul3A_173 = arith.constant 2 : i32
        %mul3A_174 = arith.muli %mul3A_173, %scan3A_169 : i32
        %add3A_175 = arith.addi %mul3A_172, %mul3A_174 : i32
        %mul3A_176 = arith.constant 8 : i32
        %mul3A_177 = arith.muli %rem3A_98, %mul3A_176 : i32
        %mul3A_178 = arith.constant 2 : i32
        %mul3A_179 = arith.muli %mul3A_178, %scan3A_169 : i32
        %add3A_180 = arith.addi %mul3A_177, %mul3A_179 : i32
        %add3A_181 = arith.constant 1 : i32
        %add3A_182 = arith.addi %add3A_175, %add3A_181 : i32
        %dma_start3A_183 = arith.constant 0 : i32
        %dma_start3A_184 = tpu.memref_slice %arg7[%add3A_182, %dma_start3A_183] : memref<82x128xi32, #tpu.memory_space<vmem>> -> memref<1x128xi32, #tpu.memory_space<vmem>>
        %dma_start3A_185 = tpu.memref_squeeze %dma_start3A_184 : memref<1x128xi32, #tpu.memory_space<vmem>> -> memref<128xi32, #tpu.memory_space<vmem>>
        %dma_start3A_186 = arith.constant 0 : i32
        %dma_start3A_187 = arith.constant 0 : i32
        %dma_start3A_188 = tpu.memref_slice %arg2[%dma_start3A_186, %dma_start3A_187] : memref<10000x128xf32, #tpu.memory_space<hbm>> -> memref<10000x128xf32, #tpu.memory_space<hbm>>
        tpu.enqueue_indirect_dma source(%dma_start3A_188 : memref<10000x128xf32, #tpu.memory_space<hbm>>) target(%arg11 : memref<128x128xf32, #tpu.memory_space<vmem>>) offsets(%dma_start3A_185 : memref<128xi32, #tpu.memory_space<vmem>>) semaphore(%arg14 : memref<!tpu.dma_semaphore, #tpu.memory_space<semaphore_mem>>)
        %dma_wait3A_189 = arith.constant 0 : i32
        %dma_wait3A_190 = tpu.memref_slice %arg7[%add3A_175, %dma_wait3A_189] : memref<82x128xi32, #tpu.memory_space<vmem>> -> memref<1x128xi32, #tpu.memory_space<vmem>>
        %dma_wait3A_191 = tpu.memref_squeeze %dma_wait3A_190 : memref<1x128xi32, #tpu.memory_space<vmem>> -> memref<128xi32, #tpu.memory_space<vmem>>
        %dma_wait3A_192 = arith.constant 0 : i32
        %dma_wait3A_193 = arith.constant 0 : i32
        %dma_wait3A_194 = tpu.memref_slice %arg2[%dma_wait3A_192, %dma_wait3A_193] : memref<10000x128xf32, #tpu.memory_space<hbm>> -> memref<10000x128xf32, #tpu.memory_space<hbm>>
        tpu.wait_indirect_dma semaphore(%arg13 : memref<!tpu.dma_semaphore, #tpu.memory_space<semaphore_mem>>) src(%dma_wait3A_194 : memref<10000x128xf32, #tpu.memory_space<hbm>>) dst(%arg10 : memref<128x128xf32, #tpu.memory_space<vmem>>)
        %mul3A_195 = arith.constant 128 : i32
        %mul3A_196 = arith.muli %add3A_180, %mul3A_195 : i32
        %scan3A_197 = arith.constant 0 : i32
        %scan3A_198 = arith.constant 0 : i32
        %scan3A_199 = arith.constant 16 : i32
        %scan3A_200 = arith.addi %scan3A_198, %scan3A_199 : i32
        %scan3A_201 = arith.constant 1 : i32
        %scan3A_202 = scf.for %scan3A_232 = %scan3A_198 to %scan3A_200 step %scan3A_201 iter_args(%scan3A_233 = %scan3A_197) -> (i32)  : i32 {
          %mul3A_234 = arith.constant 8 : i32
          %mul3A_235 = arith.muli %scan3A_232, %mul3A_234 : i32
          %add3A_236 = arith.addi %mul3A_196, %mul3A_235 : i32
          %add3A_237 = arith.constant 0 : i32
          %add3A_238 = arith.addi %add3A_236, %add3A_237 : i32
          %broadcast_in_dim3A = vector.broadcast %add3A_238 : i32 to vector<16xi32>
          %gather3A = tpu.vector_load_idx %arg9[%broadcast_in_dim3A] : memref<2048xf32, #tpu.memory_space<vmem>>[vector<16xi32>], vector<16xf32>,
          %add3A_239 = arith.constant 1 : i32
          %add3A_240 = arith.addi %add3A_236, %add3A_239 : i32
          %broadcast_in_dim3A_241 = vector.broadcast %add3A_240 : i32 to vector<16xi32>
          %gather3A_242 = tpu.vector_load_idx %arg9[%broadcast_in_dim3A_241] : memref<2048xf32, #tpu.memory_space<vmem>>[vector<16xi32>], vector<16xf32>,
          %add3A_243 = arith.constant 2 : i32
          %add3A_244 = arith.addi %add3A_236, %add3A_243 : i32
          %broadcast_in_dim3A_245 = vector.broadcast %add3A_244 : i32 to vector<16xi32>
          %gather3A_246 = tpu.vector_load_idx %arg9[%broadcast_in_dim3A_245] : memref<2048xf32, #tpu.memory_space<vmem>>[vector<16xi32>], vector<16xf32>,
          %add3A_247 = arith.constant 3 : i32
          %add3A_248 = arith.addi %add3A_236, %add3A_247 : i32
          %broadcast_in_dim3A_249 = vector.broadcast %add3A_248 : i32 to vector<16xi32>
          %gather3A_250 = tpu.vector_load_idx %arg9[%broadcast_in_dim3A_249] : memref<2048xf32, #tpu.memory_space<vmem>>[vector<16xi32>], vector<16xf32>,
          %add3A_251 = arith.constant 4 : i32
          %add3A_252 = arith.addi %add3A_236, %add3A_251 : i32
          %broadcast_in_dim3A_253 = vector.broadcast %add3A_252 : i32 to vector<16xi32>
          %gather3A_254 = tpu.vector_load_idx %arg9[%broadcast_in_dim3A_253] : memref<2048xf32, #tpu.memory_space<vmem>>[vector<16xi32>], vector<16xf32>,
          %add3A_255 = arith.constant 5 : i32
          %add3A_256 = arith.addi %add3A_236, %add3A_255 : i32
          %broadcast_in_dim3A_257 = vector.broadcast %add3A_256 : i32 to vector<16xi32>
          %gather3A_258 = tpu.vector_load_idx %arg9[%broadcast_in_dim3A_257] : memref<2048xf32, #tpu.memory_space<vmem>>[vector<16xi32>], vector<16xf32>,
          %add3A_259 = arith.constant 6 : i32
          %add3A_260 = arith.addi %add3A_236, %add3A_259 : i32
          %broadcast_in_dim3A_261 = vector.broadcast %add3A_260 : i32 to vector<16xi32>
          %gather3A_262 = tpu.vector_load_idx %arg9[%broadcast_in_dim3A_261] : memref<2048xf32, #tpu.memory_space<vmem>>[vector<16xi32>], vector<16xf32>,
          %add3A_263 = arith.constant 7 : i32
          %add3A_264 = arith.addi %add3A_236, %add3A_263 : i32
          %broadcast_in_dim3A_265 = vector.broadcast %add3A_264 : i32 to vector<16xi32>
          %gather3A_266 = tpu.vector_load_idx %arg9[%broadcast_in_dim3A_265] : memref<2048xf32, #tpu.memory_space<vmem>>[vector<16xi32>], vector<16xf32>,
          %mul3A_267 = arith.constant 8 : i32
          %mul3A_268 = arith.muli %scan3A_232, %mul3A_267 : i32
          %add3A_269 = arith.constant 0 : i32
          %add3A_270 = arith.addi %mul3A_268, %add3A_269 : i32
          %get3A = arith.index_cast %add3A_270 : i32 to index
          %get3A_271 = arith.constant 0 : index
          %get3A_272 = tpu.vector_load %arg10[%get3A, %get3A_271] {strides = array<i32>} : memref<128x128xf32, #tpu.memory_space<vmem>>, vector<16xf32>,
          %mul3A_273 = arith.mulf %get3A_272, %gather3A : vector<16xf32>
          %swap3A = arith.index_cast %add3A_270 : i32 to index
          %swap3A_274 = arith.constant 0 : index
          %swap3A_275 = tpu.vector_load %arg10[%swap3A, %swap3A_274] {strides = array<i32>} : memref<128x128xf32, #tpu.memory_space<vmem>>, vector<16xf32>,
          tpu.vector_store %arg10[%swap3A, %swap3A_274], %mul3A_273 {strides = array<i32>} : memref<128x128xf32, #tpu.memory_space<vmem>>, vector<16xf32>,
          %get3A_276 = arith.index_cast %add3A_270 : i32 to index
          %get3A_277 = arith.constant 16 : index
          %get3A_278 = tpu.vector_load %arg10[%get3A_276, %get3A_277] {strides = array<i32>} : memref<128x128xf32, #tpu.memory_space<vmem>>, vector<16xf32>,
          %mul3A_279 = arith.mulf %get3A_278, %gather3A : vector<16xf32>
          %swap3A_280 = arith.index_cast %add3A_270 : i32 to index
          %swap3A_281 = arith.constant 16 : index
          %swap3A_282 = tpu.vector_load %arg10[%swap3A_280, %swap3A_281] {strides = array<i32>} : memref<128x128xf32, #tpu.memory_space<vmem>>, vector<16xf32>,
          tpu.vector_store %arg10[%swap3A_280, %swap3A_281], %mul3A_279 {strides = array<i32>} : memref<128x128xf32, #tpu.memory_space<vmem>>, vector<16xf32>,
          %get3A_283 = arith.index_cast %add3A_270 : i32 to index
          %get3A_284 = arith.constant 32 : index
          %get3A_285 = tpu.vector_load %arg10[%get3A_283, %get3A_284] {strides = array<i32>} : memref<128x128xf32, #tpu.memory_space<vmem>>, vector<16xf32>,
          %mul3A_286 = arith.mulf %get3A_285, %gather3A : vector<16xf32>
          %swap3A_287 = arith.index_cast %add3A_270 : i32 to index
          %swap3A_288 = arith.constant 32 : index
          %swap3A_289 = tpu.vector_load %arg10[%swap3A_287, %swap3A_288] {strides = array<i32>} : memref<128x128xf32, #tpu.memory_space<vmem>>, vector<16xf32>,
          tpu.vector_store %arg10[%swap3A_287, %swap3A_288], %mul3A_286 {strides = array<i32>} : memref<128x128xf32, #tpu.memory_space<vmem>>, vector<16xf32>,
          %get3A_290 = arith.index_cast %add3A_270 : i32 to index
          %get3A_291 = arith.constant 48 : index
          %get3A_292 = tpu.vector_load %arg10[%get3A_290, %get3A_291] {strides = array<i32>} : memref<128x128xf32, #tpu.memory_space<vmem>>, vector<16xf32>,
          %mul3A_293 = arith.mulf %get3A_292, %gather3A : vector<16xf32>
          %swap3A_294 = arith.index_cast %add3A_270 : i32 to index
          %swap3A_295 = arith.constant 48 : index
          %swap3A_296 = tpu.vector_load %arg10[%swap3A_294, %swap3A_295] {strides = array<i32>} : memref<128x128xf32, #tpu.memory_space<vmem>>, vector<16xf32>,
          tpu.vector_store %arg10[%swap3A_294, %swap3A_295], %mul3A_293 {strides = array<i32>} : memref<128x128xf32, #tpu.memory_space<vmem>>, vector<16xf32>,
          %get3A_297 = arith.index_cast %add3A_270 : i32 to index
          %get3A_298 = arith.constant 64 : index
          %get3A_299 = tpu.vector_load %arg10[%get3A_297, %get3A_298] {strides = array<i32>} : memref<128x128xf32, #tpu.memory_space<vmem>>, vector<16xf32>,
          %mul3A_300 = arith.mulf %get3A_299, %gather3A : vector<16xf32>
          %swap3A_301 = arith.index_cast %add3A_270 : i32 to index
          %swap3A_302 = arith.constant 64 : index
          %swap3A_303 = tpu.vector_load %arg10[%swap3A_301, %swap3A_302] {strides = array<i32>} : memref<128x128xf32, #tpu.memory_space<vmem>>, vector<16xf32>,
          tpu.vector_store %arg10[%swap3A_301, %swap3A_302], %mul3A_300 {strides = array<i32>} : memref<128x128xf32, #tpu.memory_space<vmem>>, vector<16xf32>,
          %get3A_304 = arith.index_cast %add3A_270 : i32 to index
          %get3A_305 = arith.constant 80 : index
          %get3A_306 = tpu.vector_load %arg10[%get3A_304, %get3A_305] {strides = array<i32>} : memref<128x128xf32, #tpu.memory_space<vmem>>, vector<16xf32>,
          %mul3A_307 = arith.mulf %get3A_306, %gather3A : vector<16xf32>
          %swap3A_308 = arith.index_cast %add3A_270 : i32 to index
          %swap3A_309 = arith.constant 80 : index
          %swap3A_310 = tpu.vector_load %arg10[%swap3A_308, %swap3A_309] {strides = array<i32>} : memref<128x128xf32, #tpu.memory_space<vmem>>, vector<16xf32>,
          tpu.vector_store %arg10[%swap3A_308, %swap3A_309], %mul3A_307 {strides = array<i32>} : memref<128x128xf32, #tpu.memory_space<vmem>>, vector<16xf32>,
          %get3A_311 = arith.index_cast %add3A_270 : i32 to index
          %get3A_312 = arith.constant 96 : index
          %get3A_313 = tpu.vector_load %arg10[%get3A_311, %get3A_312] {strides = array<i32>} : memref<128x128xf32, #tpu.memory_space<vmem>>, vector<16xf32>,
          %mul3A_314 = arith.mulf %get3A_313, %gather3A : vector<16xf32>
          %swap3A_315 = arith.index_cast %add3A_270 : i32 to index
          %swap3A_316 = arith.constant 96 : index
          %swap3A_317 = tpu.vector_load %arg10[%swap3A_315, %swap3A_316] {strides = array<i32>} : memref<128x128xf32, #tpu.memory_space<vmem>>, vector<16xf32>,
          tpu.vector_store %arg10[%swap3A_315, %swap3A_316], %mul3A_314 {strides = array<i32>} : memref<128x128xf32, #tpu.memory_space<vmem>>, vector<16xf32>,
          %get3A_318 = arith.index_cast %add3A_270 : i32 to index
          %get3A_319 = arith.constant 112 : index
          %get3A_320 = tpu.vector_load %arg10[%get3A_318, %get3A_319] {strides = array<i32>} : memref<128x128xf32, #tpu.memory_space<vmem>>, vector<16xf32>,
          %mul3A_321 = arith.mulf %get3A_320, %gather3A : vector<16xf32>
          %swap3A_322 = arith.index_cast %add3A_270 : i32 to index
          %swap3A_323 = arith.constant 112 : index
          %swap3A_324 = tpu.vector_load %arg10[%swap3A_322, %swap3A_323] {strides = array<i32>} : memref<128x128xf32, #tpu.memory_space<vmem>>, vector<16xf32>,
          tpu.vector_store %arg10[%swap3A_322, %swap3A_323], %mul3A_321 {strides = array<i32>} : memref<128x128xf32, #tpu.memory_space<vmem>>, vector<16xf32>,
          %mul3A_325 = arith.constant 8 : i32
          %mul3A_326 = arith.muli %scan3A_232, %mul3A_325 : i32
          %add3A_327 = arith.constant 1 : i32
          %add3A_328 = arith.addi %mul3A_326, %add3A_327 : i32
          %get3A_329 = arith.index_cast %add3A_328 : i32 to index
          %get3A_330 = arith.constant 0 : index
          %get3A_331 = tpu.vector_load %arg10[%get3A_329, %get3A_330] {strides = array<i32>} : memref<128x128xf32, #tpu.memory_space<vmem>>, vector<16xf32>,
          %mul3A_332 = arith.mulf %get3A_331, %gather3A_242 : vector<16xf32>
          %swap3A_333 = arith.index_cast %add3A_328 : i32 to index
          %swap3A_334 = arith.constant 0 : index
          %swap3A_335 = tpu.vector_load %arg10[%swap3A_333, %swap3A_334] {strides = array<i32>} : memref<128x128xf32, #tpu.memory_space<vmem>>, vector<16xf32>,
          tpu.vector_store %arg10[%swap3A_333, %swap3A_334], %mul3A_332 {strides = array<i32>} : memref<128x128xf32, #tpu.memory_space<vmem>>, vector<16xf32>,
          %get3A_336 = arith.index_cast %add3A_328 : i32 to index
          %get3A_337 = arith.constant 16 : index
          %get3A_338 = tpu.vector_load %arg10[%get3A_336, %get3A_337] {strides = array<i32>} : memref<128x128xf32, #tpu.memory_space<vmem>>, vector<16xf32>,
          %mul3A_339 = arith.mulf %get3A_338, %gather3A_242 : vector<16xf32>
          %swap3A_340 = arith.index_cast %add3A_328 : i32 to index
          %swap3A_341 = arith.constant 16 : index
          %swap3A_342 = tpu.vector_load %arg10[%swap3A_340, %swap3A_341] {strides = array<i32>} : memref<128x128xf32, #tpu.memory_space<vmem>>, vector<16xf32>,
          tpu.vector_store %arg10[%swap3A_340, %swap3A_341], %mul3A_339 {strides = array<i32>} : memref<128x128xf32, #tpu.memory_space<vmem>>, vector<16xf32>,
          %get3A_343 = arith.index_cast %add3A_328 : i32 to index
          %get3A_344 = arith.constant 32 : index
          %get3A_345 = tpu.vector_load %arg10[%get3A_343, %get3A_344] {strides = array<i32>} : memref<128x128xf32, #tpu.memory_space<vmem>>, vector<16xf32>,
          %mul3A_346 = arith.mulf %get3A_345, %gather3A_242 : vector<16xf32>
          %swap3A_347 = arith.index_cast %add3A_328 : i32 to index
          %swap3A_348 = arith.constant 32 : index
          %swap3A_349 = tpu.vector_load %arg10[%swap3A_347, %swap3A_348] {strides = array<i32>} : memref<128x128xf32, #tpu.memory_space<vmem>>, vector<16xf32>,
          tpu.vector_store %arg10[%swap3A_347, %swap3A_348], %mul3A_346 {strides = array<i32>} : memref<128x128xf32, #tpu.memory_space<vmem>>, vector<16xf32>,
          %get3A_350 = arith.index_cast %add3A_328 : i32 to index
          %get3A_351 = arith.constant 48 : index
          %get3A_352 = tpu.vector_load %arg10[%get3A_350, %get3A_351] {strides = array<i32>} : memref<128x128xf32, #tpu.memory_space<vmem>>, vector<16xf32>,
          %mul3A_353 = arith.mulf %get3A_352, %gather3A_242 : vector<16xf32>
          %swap3A_354 = arith.index_cast %add3A_328 : i32 to index
          %swap3A_355 = arith.constant 48 : index
          %swap3A_356 = tpu.vector_load %arg10[%swap3A_354, %swap3A_355] {strides = array<i32>} : memref<128x128xf32, #tpu.memory_space<vmem>>, vector<16xf32>,
          tpu.vector_store %arg10[%swap3A_354, %swap3A_355], %mul3A_353 {strides = array<i32>} : memref<128x128xf32, #tpu.memory_space<vmem>>, vector<16xf32>,
          %get3A_357 = arith.index_cast %add3A_328 : i32 to index
          %get3A_358 = arith.constant 64 : index
          %get3A_359 = tpu.vector_load %arg10[%get3A_357, %get3A_358] {strides = array<i32>} : memref<128x128xf32, #tpu.memory_space<vmem>>, vector<16xf32>,
          %mul3A_360 = arith.mulf %get3A_359, %gather3A_242 : vector<16xf32>
          %swap3A_361 = arith.index_cast %add3A_328 : i32 to index
          %swap3A_362 = arith.constant 64 : index
          %swap3A_363 = tpu.vector_load %arg10[%swap3A_361, %swap3A_362] {strides = array<i32>} : memref<128x128xf32, #tpu.memory_space<vmem>>, vector<16xf32>,
          tpu.vector_store %arg10[%swap3A_361, %swap3A_362], %mul3A_360 {strides = array<i32>} : memref<128x128xf32, #tpu.memory_space<vmem>>, vector<16xf32>,
          %get3A_364 = arith.index_cast %add3A_328 : i32 to index
          %get3A_365 = arith.constant 80 : index
          %get3A_366 = tpu.vector_load %arg10[%get3A_364, %get3A_365] {strides = array<i32>} : memref<128x128xf32, #tpu.memory_space<vmem>>, vector<16xf32>,
          %mul3A_367 = arith.mulf %get3A_366, %gather3A_242 : vector<16xf32>
          %swap3A_368 = arith.index_cast %add3A_328 : i32 to index
          %swap3A_369 = arith.constant 80 : index
          %swap3A_370 = tpu.vector_load %arg10[%swap3A_368, %swap3A_369] {strides = array<i32>} : memref<128x128xf32, #tpu.memory_space<vmem>>, vector<16xf32>,
          tpu.vector_store %arg10[%swap3A_368, %swap3A_369], %mul3A_367 {strides = array<i32>} : memref<128x128xf32, #tpu.memory_space<vmem>>, vector<16xf32>,
          %get3A_371 = arith.index_cast %add3A_328 : i32 to index
          %get3A_372 = arith.constant 96 : index
          %get3A_373 = tpu.vector_load %arg10[%get3A_371, %get3A_372] {strides = array<i32>} : memref<128x128xf32, #tpu.memory_space<vmem>>, vector<16xf32>,
          %mul3A_374 = arith.mulf %get3A_373, %gather3A_242 : vector<16xf32>
          %swap3A_375 = arith.index_cast %add3A_328 : i32 to index
          %swap3A_376 = arith.constant 96 : index
          %swap3A_377 = tpu.vector_load %arg10[%swap3A_375, %swap3A_376] {strides = array<i32>} : memref<128x128xf32, #tpu.memory_space<vmem>>, vector<16xf32>,
          tpu.vector_store %arg10[%swap3A_375, %swap3A_376], %mul3A_374 {strides = array<i32>} : memref<128x128xf32, #tpu.memory_space<vmem>>, vector<16xf32>,
          %get3A_378 = arith.index_cast %add3A_328 : i32 to index
          %get3A_379 = arith.constant 112 : index
          %get3A_380 = tpu.vector_load %arg10[%get3A_378, %get3A_379] {strides = array<i32>} : memref<128x128xf32, #tpu.memory_space<vmem>>, vector<16xf32>,
          %mul3A_381 = arith.mulf %get3A_380, %gather3A_242 : vector<16xf32>
          %swap3A_382 = arith.index_cast %add3A_328 : i32 to index
          %swap3A_383 = arith.constant 112 : index
          %swap3A_384 = tpu.vector_load %arg10[%swap3A_382, %swap3A_383] {strides = array<i32>} : memref<128x128xf32, #tpu.memory_space<vmem>>, vector<16xf32>,
          tpu.vector_store %arg10[%swap3A_382, %swap3A_383], %mul3A_381 {strides = array<i32>} : memref<128x128xf32, #tpu.memory_space<vmem>>, vector<16xf32>,
          %mul3A_385 = arith.constant 8 : i32
          %mul3A_386 = arith.muli %scan3A_232, %mul3A_385 : i32
          %add3A_387 = arith.constant 2 : i32
          %add3A_388 = arith.addi %mul3A_386, %add3A_387 : i32
          %get3A_389 = arith.index_cast %add3A_388 : i32 to index
          %get3A_390 = arith.constant 0 : index
          %get3A_391 = tpu.vector_load %arg10[%get3A_389, %get3A_390] {strides = array<i32>} : memref<128x128xf32, #tpu.memory_space<vmem>>, vector<16xf32>,
          %mul3A_392 = arith.mulf %get3A_391, %gather3A_246 : vector<16xf32>
          %swap3A_393 = arith.index_cast %add3A_388 : i32 to index
          %swap3A_394 = arith.constant 0 : index
          %swap3A_395 = tpu.vector_load %arg10[%swap3A_393, %swap3A_394] {strides = array<i32>} : memref<128x128xf32, #tpu.memory_space<vmem>>, vector<16xf32>,
          tpu.vector_store %arg10[%swap3A_393, %swap3A_394], %mul3A_392 {strides = array<i32>} : memref<128x128xf32, #tpu.memory_space<vmem>>, vector<16xf32>,
          %get3A_396 = arith.index_cast %add3A_388 : i32 to index
          %get3A_397 = arith.constant 16 : index
          %get3A_398 = tpu.vector_load %arg10[%get3A_396, %get3A_397] {strides = array<i32>} : memref<128x128xf32, #tpu.memory_space<vmem>>, vector<16xf32>,
          %mul3A_399 = arith.mulf %get3A_398, %gather3A_246 : vector<16xf32>
          %swap3A_400 = arith.index_cast %add3A_388 : i32 to index
          %swap3A_401 = arith.constant 16 : index
          %swap3A_402 = tpu.vector_load %arg10[%swap3A_400, %swap3A_401] {strides = array<i32>} : memref<128x128xf32, #tpu.memory_space<vmem>>, vector<16xf32>,
          tpu.vector_store %arg10[%swap3A_400, %swap3A_401], %mul3A_399 {strides = array<i32>} : memref<128x128xf32, #tpu.memory_space<vmem>>, vector<16xf32>,
          %get3A_403 = arith.index_cast %add3A_388 : i32 to index
          %get3A_404 = arith.constant 32 : index
          %get3A_405 = tpu.vector_load %arg10[%get3A_403, %get3A_404] {strides = array<i32>} : memref<128x128xf32, #tpu.memory_space<vmem>>, vector<16xf32>,
          %mul3A_406 = arith.mulf %get3A_405, %gather3A_246 : vector<16xf32>
          %swap3A_407 = arith.index_cast %add3A_388 : i32 to index
          %swap3A_408 = arith.constant 32 : index
          %swap3A_409 = tpu.vector_load %arg10[%swap3A_407, %swap3A_408] {strides = array<i32>} : memref<128x128xf32, #tpu.memory_space<vmem>>, vector<16xf32>,
          tpu.vector_store %arg10[%swap3A_407, %swap3A_408], %mul3A_406 {strides = array<i32>} : memref<128x128xf32, #tpu.memory_space<vmem>>, vector<16xf32>,
          %get3A_410 = arith.index_cast %add3A_388 : i32 to index
          %get3A_411 = arith.constant 48 : index
          %get3A_412 = tpu.vector_load %arg10[%get3A_410, %get3A_411] {strides = array<i32>} : memref<128x128xf32, #tpu.memory_space<vmem>>, vector<16xf32>,
          %mul3A_413 = arith.mulf %get3A_412, %gather3A_246 : vector<16xf32>
          %swap3A_414 = arith.index_cast %add3A_388 : i32 to index
          %swap3A_415 = arith.constant 48 : index
          %swap3A_416 = tpu.vector_load %arg10[%swap3A_414, %swap3A_415] {strides = array<i32>} : memref<128x128xf32, #tpu.memory_space<vmem>>, vector<16xf32>,
          tpu.vector_store %arg10[%swap3A_414, %swap3A_415], %mul3A_413 {strides = array<i32>} : memref<128x128xf32, #tpu.memory_space<vmem>>, vector<16xf32>,
          %get3A_417 = arith.index_cast %add3A_388 : i32 to index
          %get3A_418 = arith.constant 64 : index
          %get3A_419 = tpu.vector_load %arg10[%get3A_417, %get3A_418] {strides = array<i32>} : memref<128x128xf32, #tpu.memory_space<vmem>>, vector<16xf32>,
          %mul3A_420 = arith.mulf %get3A_419, %gather3A_246 : vector<16xf32>
          %swap3A_421 = arith.index_cast %add3A_388 : i32 to index
          %swap3A_422 = arith.constant 64 : index
          %swap3A_423 = tpu.vector_load %arg10[%swap3A_421, %swap3A_422] {strides = array<i32>} : memref<128x128xf32, #tpu.memory_space<vmem>>, vector<16xf32>,
          tpu.vector_store %arg10[%swap3A_421, %swap3A_422], %mul3A_420 {strides = array<i32>} : memref<128x128xf32, #tpu.memory_space<vmem>>, vector<16xf32>,
          %get3A_424 = arith.index_cast %add3A_388 : i32 to index
          %get3A_425 = arith.constant 80 : index
          %get3A_426 = tpu.vector_load %arg10[%get3A_424, %get3A_425] {strides = array<i32>} : memref<128x128xf32, #tpu.memory_space<vmem>>, vector<16xf32>,
          %mul3A_427 = arith.mulf %get3A_426, %gather3A_246 : vector<16xf32>
          %swap3A_428 = arith.index_cast %add3A_388 : i32 to index
          %swap3A_429 = arith.constant 80 : index
          %swap3A_430 = tpu.vector_load %arg10[%swap3A_428, %swap3A_429] {strides = array<i32>} : memref<128x128xf32, #tpu.memory_space<vmem>>, vector<16xf32>,
          tpu.vector_store %arg10[%swap3A_428, %swap3A_429], %mul3A_427 {strides = array<i32>} : memref<128x128xf32, #tpu.memory_space<vmem>>, vector<16xf32>,
          %get3A_431 = arith.index_cast %add3A_388 : i32 to index
          %get3A_432 = arith.constant 96 : index
          %get3A_433 = tpu.vector_load %arg10[%get3A_431, %get3A_432] {strides = array<i32>} : memref<128x128xf32, #tpu.memory_space<vmem>>, vector<16xf32>,
          %mul3A_434 = arith.mulf %get3A_433, %gather3A_246 : vector<16xf32>
          %swap3A_435 = arith.index_cast %add3A_388 : i32 to index
          %swap3A_436 = arith.constant 96 : index
          %swap3A_437 = tpu.vector_load %arg10[%swap3A_435, %swap3A_436] {strides = array<i32>} : memref<128x128xf32, #tpu.memory_space<vmem>>, vector<16xf32>,
          tpu.vector_store %arg10[%swap3A_435, %swap3A_436], %mul3A_434 {strides = array<i32>} : memref<128x128xf32, #tpu.memory_space<vmem>>, vector<16xf32>,
          %get3A_438 = arith.index_cast %add3A_388 : i32 to index
          %get3A_439 = arith.constant 112 : index
          %get3A_440 = tpu.vector_load %arg10[%get3A_438, %get3A_439] {strides = array<i32>} : memref<128x128xf32, #tpu.memory_space<vmem>>, vector<16xf32>,
          %mul3A_441 = arith.mulf %get3A_440, %gather3A_246 : vector<16xf32>
          %swap3A_442 = arith.index_cast %add3A_388 : i32 to index
          %swap3A_443 = arith.constant 112 : index
          %swap3A_444 = tpu.vector_load %arg10[%swap3A_442, %swap3A_443] {strides = array<i32>} : memref<128x128xf32, #tpu.memory_space<vmem>>, vector<16xf32>,
          tpu.vector_store %arg10[%swap3A_442, %swap3A_443], %mul3A_441 {strides = array<i32>} : memref<128x128xf32, #tpu.memory_space<vmem>>, vector<16xf32>,
          %mul3A_445 = arith.constant 8 : i32
          %mul3A_446 = arith.muli %scan3A_232, %mul3A_445 : i32
          %add3A_447 = arith.constant 3 : i32
          %add3A_448 = arith.addi %mul3A_446, %add3A_447 : i32
          %get3A_449 = arith.index_cast %add3A_448 : i32 to index
          %get3A_450 = arith.constant 0 : index
          %get3A_451 = tpu.vector_load %arg10[%get3A_449, %get3A_450] {strides = array<i32>} : memref<128x128xf32, #tpu.memory_space<vmem>>, vector<16xf32>,
          %mul3A_452 = arith.mulf %get3A_451, %gather3A_250 : vector<16xf32>
          %swap3A_453 = arith.index_cast %add3A_448 : i32 to index
          %swap3A_454 = arith.constant 0 : index
          %swap3A_455 = tpu.vector_load %arg10[%swap3A_453, %swap3A_454] {strides = array<i32>} : memref<128x128xf32, #tpu.memory_space<vmem>>, vector<16xf32>,
          tpu.vector_store %arg10[%swap3A_453, %swap3A_454], %mul3A_452 {strides = array<i32>} : memref<128x128xf32, #tpu.memory_space<vmem>>, vector<16xf32>,
          %get3A_456 = arith.index_cast %add3A_448 : i32 to index
          %get3A_457 = arith.constant 16 : index
          %get3A_458 = tpu.vector_load %arg10[%get3A_456, %get3A_457] {strides = array<i32>} : memref<128x128xf32, #tpu.memory_space<vmem>>, vector<16xf32>,
          %mul3A_459 = arith.mulf %get3A_458, %gather3A_250 : vector<16xf32>
          %swap3A_460 = arith.index_cast %add3A_448 : i32 to index
          %swap3A_461 = arith.constant 16 : index
          %swap3A_462 = tpu.vector_load %arg10[%swap3A_460, %swap3A_461] {strides = array<i32>} : memref<128x128xf32, #tpu.memory_space<vmem>>, vector<16xf32>,
          tpu.vector_store %arg10[%swap3A_460, %swap3A_461], %mul3A_459 {strides = array<i32>} : memref<128x128xf32, #tpu.memory_space<vmem>>, vector<16xf32>,
          %get3A_463 = arith.index_cast %add3A_448 : i32 to index
          %get3A_464 = arith.constant 32 : index
          %get3A_465 = tpu.vector_load %arg10[%get3A_463, %get3A_464] {strides = array<i32>} : memref<128x128xf32, #tpu.memory_space<vmem>>, vector<16xf32>,
          %mul3A_466 = arith.mulf %get3A_465, %gather3A_250 : vector<16xf32>
          %swap3A_467 = arith.index_cast %add3A_448 : i32 to index
          %swap3A_468 = arith.constant 32 : index
          %swap3A_469 = tpu.vector_load %arg10[%swap3A_467, %swap3A_468] {strides = array<i32>} : memref<128x128xf32, #tpu.memory_space<vmem>>, vector<16xf32>,
          tpu.vector_store %arg10[%swap3A_467, %swap3A_468], %mul3A_466 {strides = array<i32>} : memref<128x128xf32, #tpu.memory_space<vmem>>, vector<16xf32>,
          %get3A_470 = arith.index_cast %add3A_448 : i32 to index
          %get3A_471 = arith.constant 48 : index
          %get3A_472 = tpu.vector_load %arg10[%get3A_470, %get3A_471] {strides = array<i32>} : memref<128x128xf32, #tpu.memory_space<vmem>>, vector<16xf32>,
          %mul3A_473 = arith.mulf %get3A_472, %gather3A_250 : vector<16xf32>
          %swap3A_474 = arith.index_cast %add3A_448 : i32 to index
          %swap3A_475 = arith.constant 48 : index
          %swap3A_476 = tpu.vector_load %arg10[%swap3A_474, %swap3A_475] {strides = array<i32>} : memref<128x128xf32, #tpu.memory_space<vmem>>, vector<16xf32>,
          tpu.vector_store %arg10[%swap3A_474, %swap3A_475], %mul3A_473 {strides = array<i32>} : memref<128x128xf32, #tpu.memory_space<vmem>>, vector<16xf32>,
          %get3A_477 = arith.index_cast %add3A_448 : i32 to index
          %get3A_478 = arith.constant 64 : index
          %get3A_479 = tpu.vector_load %arg10[%get3A_477, %get3A_478] {strides = array<i32>} : memref<128x128xf32, #tpu.memory_space<vmem>>, vector<16xf32>,
          %mul3A_480 = arith.mulf %get3A_479, %gather3A_250 : vector<16xf32>
          %swap3A_481 = arith.index_cast %add3A_448 : i32 to index
          %swap3A_482 = arith.constant 64 : index
          %swap3A_483 = tpu.vector_load %arg10[%swap3A_481, %swap3A_482] {strides = array<i32>} : memref<128x128xf32, #tpu.memory_space<vmem>>, vector<16xf32>,
          tpu.vector_store %arg10[%swap3A_481, %swap3A_482], %mul3A_480 {strides = array<i32>} : memref<128x128xf32, #tpu.memory_space<vmem>>, vector<16xf32>,
          %get3A_484 = arith.index_cast %add3A_448 : i32 to index
          %get3A_485 = arith.constant 80 : index
          %get3A_486 = tpu.vector_load %arg10[%get3A_484, %get3A_485] {strides = array<i32>} : memref<128x128xf32, #tpu.memory_space<vmem>>, vector<16xf32>,
          %mul3A_487 = arith.mulf %get3A_486, %gather3A_250 : vector<16xf32>
          %swap3A_488 = arith.index_cast %add3A_448 : i32 to index
          %swap3A_489 = arith.constant 80 : index
          %swap3A_490 = tpu.vector_load %arg10[%swap3A_488, %swap3A_489] {strides = array<i32>} : memref<128x128xf32, #tpu.memory_space<vmem>>, vector<16xf32>,
          tpu.vector_store %arg10[%swap3A_488, %swap3A_489], %mul3A_487 {strides = array<i32>} : memref<128x128xf32, #tpu.memory_space<vmem>>, vector<16xf32>,
          %get3A_491 = arith.index_cast %add3A_448 : i32 to index
          %get3A_492 = arith.constant 96 : index
          %get3A_493 = tpu.vector_load %arg10[%get3A_491, %get3A_492] {strides = array<i32>} : memref<128x128xf32, #tpu.memory_space<vmem>>, vector<16xf32>,
          %mul3A_494 = arith.mulf %get3A_493, %gather3A_250 : vector<16xf32>
          %swap3A_495 = arith.index_cast %add3A_448 : i32 to index
          %swap3A_496 = arith.constant 96 : index
          %swap3A_497 = tpu.vector_load %arg10[%swap3A_495, %swap3A_496] {strides = array<i32>} : memref<128x128xf32, #tpu.memory_space<vmem>>, vector<16xf32>,
          tpu.vector_store %arg10[%swap3A_495, %swap3A_496], %mul3A_494 {strides = array<i32>} : memref<128x128xf32, #tpu.memory_space<vmem>>, vector<16xf32>,
          %get3A_498 = arith.index_cast %add3A_448 : i32 to index
          %get3A_499 = arith.constant 112 : index
          %get3A_500 = tpu.vector_load %arg10[%get3A_498, %get3A_499] {strides = array<i32>} : memref<128x128xf32, #tpu.memory_space<vmem>>, vector<16xf32>,
          %mul3A_501 = arith.mulf %get3A_500, %gather3A_250 : vector<16xf32>
          %swap3A_502 = arith.index_cast %add3A_448 : i32 to index
          %swap3A_503 = arith.constant 112 : index
          %swap3A_504 = tpu.vector_load %arg10[%swap3A_502, %swap3A_503] {strides = array<i32>} : memref<128x128xf32, #tpu.memory_space<vmem>>, vector<16xf32>,
          tpu.vector_store %arg10[%swap3A_502, %swap3A_503], %mul3A_501 {strides = array<i32>} : memref<128x128xf32, #tpu.memory_space<vmem>>, vector<16xf32>,
          %mul3A_505 = arith.constant 8 : i32
          %mul3A_506 = arith.muli %scan3A_232, %mul3A_505 : i32
          %add3A_507 = arith.constant 4 : i32
          %add3A_508 = arith.addi %mul3A_506, %add3A_507 : i32
          %get3A_509 = arith.index_cast %add3A_508 : i32 to index
          %get3A_510 = arith.constant 0 : index
          %get3A_511 = tpu.vector_load %arg10[%get3A_509, %get3A_510] {strides = array<i32>} : memref<128x128xf32, #tpu.memory_space<vmem>>, vector<16xf32>,
          %mul3A_512 = arith.mulf %get3A_511, %gather3A_254 : vector<16xf32>
          %swap3A_513 = arith.index_cast %add3A_508 : i32 to index
          %swap3A_514 = arith.constant 0 : index
          %swap3A_515 = tpu.vector_load %arg10[%swap3A_513, %swap3A_514] {strides = array<i32>} : memref<128x128xf32, #tpu.memory_space<vmem>>, vector<16xf32>,
          tpu.vector_store %arg10[%swap3A_513, %swap3A_514], %mul3A_512 {strides = array<i32>} : memref<128x128xf32, #tpu.memory_space<vmem>>, vector<16xf32>,
          %get3A_516 = arith.index_cast %add3A_508 : i32 to index
          %get3A_517 = arith.constant 16 : index
          %get3A_518 = tpu.vector_load %arg10[%get3A_516, %get3A_517] {strides = array<i32>} : memref<128x128xf32, #tpu.memory_space<vmem>>, vector<16xf32>,
          %mul3A_519 = arith.mulf %get3A_518, %gather3A_254 : vector<16xf32>
          %swap3A_520 = arith.index_cast %add3A_508 : i32 to index
          %swap3A_521 = arith.constant 16 : index
          %swap3A_522 = tpu.vector_load %arg10[%swap3A_520, %swap3A_521] {strides = array<i32>} : memref<128x128xf32, #tpu.memory_space<vmem>>, vector<16xf32>,
          tpu.vector_store %arg10[%swap3A_520, %swap3A_521], %mul3A_519 {strides = array<i32>} : memref<128x128xf32, #tpu.memory_space<vmem>>, vector<16xf32>,
          %get3A_523 = arith.index_cast %add3A_508 : i32 to index
          %get3A_524 = arith.constant 32 : index
          %get3A_525 = tpu.vector_load %arg10[%get3A_523, %get3A_524] {strides = array<i32>} : memref<128x128xf32, #tpu.memory_space<vmem>>, vector<16xf32>,
          %mul3A_526 = arith.mulf %get3A_525, %gather3A_254 : vector<16xf32>
          %swap3A_527 = arith.index_cast %add3A_508 : i32 to index
          %swap3A_528 = arith.constant 32 : index
          %swap3A_529 = tpu.vector_load %arg10[%swap3A_527, %swap3A_528] {strides = array<i32>} : memref<128x128xf32, #tpu.memory_space<vmem>>, vector<16xf32>,
          tpu.vector_store %arg10[%swap3A_527, %swap3A_528], %mul3A_526 {strides = array<i32>} : memref<128x128xf32, #tpu.memory_space<vmem>>, vector<16xf32>,
          %get3A_530 = arith.index_cast %add3A_508 : i32 to index
          %get3A_531 = arith.constant 48 : index
          %get3A_532 = tpu.vector_load %arg10[%get3A_530, %get3A_531] {strides = array<i32>} : memref<128x128xf32, #tpu.memory_space<vmem>>, vector<16xf32>,
          %mul3A_533 = arith.mulf %get3A_532, %gather3A_254 : vector<16xf32>
          %swap3A_534 = arith.index_cast %add3A_508 : i32 to index
          %swap3A_535 = arith.constant 48 : index
          %swap3A_536 = tpu.vector_load %arg10[%swap3A_534, %swap3A_535] {strides = array<i32>} : memref<128x128xf32, #tpu.memory_space<vmem>>, vector<16xf32>,
          tpu.vector_store %arg10[%swap3A_534, %swap3A_535], %mul3A_533 {strides = array<i32>} : memref<128x128xf32, #tpu.memory_space<vmem>>, vector<16xf32>,
          %get3A_537 = arith.index_cast %add3A_508 : i32 to index
          %get3A_538 = arith.constant 64 : index
          %get3A_539 = tpu.vector_load %arg10[%get3A_537, %get3A_538] {strides = array<i32>} : memref<128x128xf32, #tpu.memory_space<vmem>>, vector<16xf32>,
          %mul3A_540 = arith.mulf %get3A_539, %gather3A_254 : vector<16xf32>
          %swap3A_541 = arith.index_cast %add3A_508 : i32 to index
          %swap3A_542 = arith.constant 64 : index
          %swap3A_543 = tpu.vector_load %arg10[%swap3A_541, %swap3A_542] {strides = array<i32>} : memref<128x128xf32, #tpu.memory_space<vmem>>, vector<16xf32>,
          tpu.vector_store %arg10[%swap3A_541, %swap3A_542], %mul3A_540 {strides = array<i32>} : memref<128x128xf32, #tpu.memory_space<vmem>>, vector<16xf32>,
          %get3A_544 = arith.index_cast %add3A_508 : i32 to index
          %get3A_545 = arith.constant 80 : index
          %get3A_546 = tpu.vector_load %arg10[%get3A_544, %get3A_545] {strides = array<i32>} : memref<128x128xf32, #tpu.memory_space<vmem>>, vector<16xf32>,
          %mul3A_547 = arith.mulf %get3A_546, %gather3A_254 : vector<16xf32>
          %swap3A_548 = arith.index_cast %add3A_508 : i32 to index
          %swap3A_549 = arith.constant 80 : index
          %swap3A_550 = tpu.vector_load %arg10[%swap3A_548, %swap3A_549] {strides = array<i32>} : memref<128x128xf32, #tpu.memory_space<vmem>>, vector<16xf32>,
          tpu.vector_store %arg10[%swap3A_548, %swap3A_549], %mul3A_547 {strides = array<i32>} : memref<128x128xf32, #tpu.memory_space<vmem>>, vector<16xf32>,
          %get3A_551 = arith.index_cast %add3A_508 : i32 to index
          %get3A_552 = arith.constant 96 : index
          %get3A_553 = tpu.vector_load %arg10[%get3A_551, %get3A_552] {strides = array<i32>} : memref<128x128xf32, #tpu.memory_space<vmem>>, vector<16xf32>,
          %mul3A_554 = arith.mulf %get3A_553, %gather3A_254 : vector<16xf32>
          %swap3A_555 = arith.index_cast %add3A_508 : i32 to index
          %swap3A_556 = arith.constant 96 : index
          %swap3A_557 = tpu.vector_load %arg10[%swap3A_555, %swap3A_556] {strides = array<i32>} : memref<128x128xf32, #tpu.memory_space<vmem>>, vector<16xf32>,
          tpu.vector_store %arg10[%swap3A_555, %swap3A_556], %mul3A_554 {strides = array<i32>} : memref<128x128xf32, #tpu.memory_space<vmem>>, vector<16xf32>,
          %get3A_558 = arith.index_cast %add3A_508 : i32 to index
          %get3A_559 = arith.constant 112 : index
          %get3A_560 = tpu.vector_load %arg10[%get3A_558, %get3A_559] {strides = array<i32>} : memref<128x128xf32, #tpu.memory_space<vmem>>, vector<16xf32>,
          %mul3A_561 = arith.mulf %get3A_560, %gather3A_254 : vector<16xf32>
          %swap3A_562 = arith.index_cast %add3A_508 : i32 to index
          %swap3A_563 = arith.constant 112 : index
          %swap3A_564 = tpu.vector_load %arg10[%swap3A_562, %swap3A_563] {strides = array<i32>} : memref<128x128xf32, #tpu.memory_space<vmem>>, vector<16xf32>,
          tpu.vector_store %arg10[%swap3A_562, %swap3A_563], %mul3A_561 {strides = array<i32>} : memref<128x128xf32, #tpu.memory_space<vmem>>, vector<16xf32>,
          %mul3A_565 = arith.constant 8 : i32
          %mul3A_566 = arith.muli %scan3A_232, %mul3A_565 : i32
          %add3A_567 = arith.constant 5 : i32
          %add3A_568 = arith.addi %mul3A_566, %add3A_567 : i32
          %get3A_569 = arith.index_cast %add3A_568 : i32 to index
          %get3A_570 = arith.constant 0 : index
          %get3A_571 = tpu.vector_load %arg10[%get3A_569, %get3A_570] {strides = array<i32>} : memref<128x128xf32, #tpu.memory_space<vmem>>, vector<16xf32>,
          %mul3A_572 = arith.mulf %get3A_571, %gather3A_258 : vector<16xf32>
          %swap3A_573 = arith.index_cast %add3A_568 : i32 to index
          %swap3A_574 = arith.constant 0 : index
          %swap3A_575 = tpu.vector_load %arg10[%swap3A_573, %swap3A_574] {strides = array<i32>} : memref<128x128xf32, #tpu.memory_space<vmem>>, vector<16xf32>,
          tpu.vector_store %arg10[%swap3A_573, %swap3A_574], %mul3A_572 {strides = array<i32>} : memref<128x128xf32, #tpu.memory_space<vmem>>, vector<16xf32>,
          %get3A_576 = arith.index_cast %add3A_568 : i32 to index
          %get3A_577 = arith.constant 16 : index
          %get3A_578 = tpu.vector_load %arg10[%get3A_576, %get3A_577] {strides = array<i32>} : memref<128x128xf32, #tpu.memory_space<vmem>>, vector<16xf32>,
          %mul3A_579 = arith.mulf %get3A_578, %gather3A_258 : vector<16xf32>
          %swap3A_580 = arith.index_cast %add3A_568 : i32 to index
          %swap3A_581 = arith.constant 16 : index
          %swap3A_582 = tpu.vector_load %arg10[%swap3A_580, %swap3A_581] {strides = array<i32>} : memref<128x128xf32, #tpu.memory_space<vmem>>, vector<16xf32>,
          tpu.vector_store %arg10[%swap3A_580, %swap3A_581], %mul3A_579 {strides = array<i32>} : memref<128x128xf32, #tpu.memory_space<vmem>>, vector<16xf32>,
          %get3A_583 = arith.index_cast %add3A_568 : i32 to index
          %get3A_584 = arith.constant 32 : index
          %get3A_585 = tpu.vector_load %arg10[%get3A_583, %get3A_584] {strides = array<i32>} : memref<128x128xf32, #tpu.memory_space<vmem>>, vector<16xf32>,
          %mul3A_586 = arith.mulf %get3A_585, %gather3A_258 : vector<16xf32>
          %swap3A_587 = arith.index_cast %add3A_568 : i32 to index
          %swap3A_588 = arith.constant 32 : index
          %swap3A_589 = tpu.vector_load %arg10[%swap3A_587, %swap3A_588] {strides = array<i32>} : memref<128x128xf32, #tpu.memory_space<vmem>>, vector<16xf32>,
          tpu.vector_store %arg10[%swap3A_587, %swap3A_588], %mul3A_586 {strides = array<i32>} : memref<128x128xf32, #tpu.memory_space<vmem>>, vector<16xf32>,
          %get3A_590 = arith.index_cast %add3A_568 : i32 to index
          %get3A_591 = arith.constant 48 : index
          %get3A_592 = tpu.vector_load %arg10[%get3A_590, %get3A_591] {strides = array<i32>} : memref<128x128xf32, #tpu.memory_space<vmem>>, vector<16xf32>,
          %mul3A_593 = arith.mulf %get3A_592, %gather3A_258 : vector<16xf32>
          %swap3A_594 = arith.index_cast %add3A_568 : i32 to index
          %swap3A_595 = arith.constant 48 : index
          %swap3A_596 = tpu.vector_load %arg10[%swap3A_594, %swap3A_595] {strides = array<i32>} : memref<128x128xf32, #tpu.memory_space<vmem>>, vector<16xf32>,
          tpu.vector_store %arg10[%swap3A_594, %swap3A_595], %mul3A_593 {strides = array<i32>} : memref<128x128xf32, #tpu.memory_space<vmem>>, vector<16xf32>,
          %get3A_597 = arith.index_cast %add3A_568 : i32 to index
          %get3A_598 = arith.constant 64 : index
          %get3A_599 = tpu.vector_load %arg10[%get3A_597, %get3A_598] {strides = array<i32>} : memref<128x128xf32, #tpu.memory_space<vmem>>, vector<16xf32>,
          %mul3A_600 = arith.mulf %get3A_599, %gather3A_258 : vector<16xf32>
          %swap3A_601 = arith.index_cast %add3A_568 : i32 to index
          %swap3A_602 = arith.constant 64 : index
          %swap3A_603 = tpu.vector_load %arg10[%swap3A_601, %swap3A_602] {strides = array<i32>} : memref<128x128xf32, #tpu.memory_space<vmem>>, vector<16xf32>,
          tpu.vector_store %arg10[%swap3A_601, %swap3A_602], %mul3A_600 {strides = array<i32>} : memref<128x128xf32, #tpu.memory_space<vmem>>, vector<16xf32>,
          %get3A_604 = arith.index_cast %add3A_568 : i32 to index
          %get3A_605 = arith.constant 80 : index
          %get3A_606 = tpu.vector_load %arg10[%get3A_604, %get3A_605] {strides = array<i32>} : memref<128x128xf32, #tpu.memory_space<vmem>>, vector<16xf32>,
          %mul3A_607 = arith.mulf %get3A_606, %gather3A_258 : vector<16xf32>
          %swap3A_608 = arith.index_cast %add3A_568 : i32 to index
          %swap3A_609 = arith.constant 80 : index
          %swap3A_610 = tpu.vector_load %arg10[%swap3A_608, %swap3A_609] {strides = array<i32>} : memref<128x128xf32, #tpu.memory_space<vmem>>, vector<16xf32>,
          tpu.vector_store %arg10[%swap3A_608, %swap3A_609], %mul3A_607 {strides = array<i32>} : memref<128x128xf32, #tpu.memory_space<vmem>>, vector<16xf32>,
          %get3A_611 = arith.index_cast %add3A_568 : i32 to index
          %get3A_612 = arith.constant 96 : index
          %get3A_613 = tpu.vector_load %arg10[%get3A_611, %get3A_612] {strides = array<i32>} : memref<128x128xf32, #tpu.memory_space<vmem>>, vector<16xf32>,
          %mul3A_614 = arith.mulf %get3A_613, %gather3A_258 : vector<16xf32>
          %swap3A_615 = arith.index_cast %add3A_568 : i32 to index
          %swap3A_616 = arith.constant 96 : index
          %swap3A_617 = tpu.vector_load %arg10[%swap3A_615, %swap3A_616] {strides = array<i32>} : memref<128x128xf32, #tpu.memory_space<vmem>>, vector<16xf32>,
          tpu.vector_store %arg10[%swap3A_615, %swap3A_616], %mul3A_614 {strides = array<i32>} : memref<128x128xf32, #tpu.memory_space<vmem>>, vector<16xf32>,
          %get3A_618 = arith.index_cast %add3A_568 : i32 to index
          %get3A_619 = arith.constant 112 : index
          %get3A_620 = tpu.vector_load %arg10[%get3A_618, %get3A_619] {strides = array<i32>} : memref<128x128xf32, #tpu.memory_space<vmem>>, vector<16xf32>,
          %mul3A_621 = arith.mulf %get3A_620, %gather3A_258 : vector<16xf32>
          %swap3A_622 = arith.index_cast %add3A_568 : i32 to index
          %swap3A_623 = arith.constant 112 : index
          %swap3A_624 = tpu.vector_load %arg10[%swap3A_622, %swap3A_623] {strides = array<i32>} : memref<128x128xf32, #tpu.memory_space<vmem>>, vector<16xf32>,
          tpu.vector_store %arg10[%swap3A_622, %swap3A_623], %mul3A_621 {strides = array<i32>} : memref<128x128xf32, #tpu.memory_space<vmem>>, vector<16xf32>,
          %mul3A_625 = arith.constant 8 : i32
          %mul3A_626 = arith.muli %scan3A_232, %mul3A_625 : i32
          %add3A_627 = arith.constant 6 : i32
          %add3A_628 = arith.addi %mul3A_626, %add3A_627 : i32
          %get3A_629 = arith.index_cast %add3A_628 : i32 to index
          %get3A_630 = arith.constant 0 : index
          %get3A_631 = tpu.vector_load %arg10[%get3A_629, %get3A_630] {strides = array<i32>} : memref<128x128xf32, #tpu.memory_space<vmem>>, vector<16xf32>,
          %mul3A_632 = arith.mulf %get3A_631, %gather3A_262 : vector<16xf32>
          %swap3A_633 = arith.index_cast %add3A_628 : i32 to index
          %swap3A_634 = arith.constant 0 : index
          %swap3A_635 = tpu.vector_load %arg10[%swap3A_633, %swap3A_634] {strides = array<i32>} : memref<128x128xf32, #tpu.memory_space<vmem>>, vector<16xf32>,
          tpu.vector_store %arg10[%swap3A_633, %swap3A_634], %mul3A_632 {strides = array<i32>} : memref<128x128xf32, #tpu.memory_space<vmem>>, vector<16xf32>,
          %get3A_636 = arith.index_cast %add3A_628 : i32 to index
          %get3A_637 = arith.constant 16 : index
          %get3A_638 = tpu.vector_load %arg10[%get3A_636, %get3A_637] {strides = array<i32>} : memref<128x128xf32, #tpu.memory_space<vmem>>, vector<16xf32>,
          %mul3A_639 = arith.mulf %get3A_638, %gather3A_262 : vector<16xf32>
          %swap3A_640 = arith.index_cast %add3A_628 : i32 to index
          %swap3A_641 = arith.constant 16 : index
          %swap3A_642 = tpu.vector_load %arg10[%swap3A_640, %swap3A_641] {strides = array<i32>} : memref<128x128xf32, #tpu.memory_space<vmem>>, vector<16xf32>,
          tpu.vector_store %arg10[%swap3A_640, %swap3A_641], %mul3A_639 {strides = array<i32>} : memref<128x128xf32, #tpu.memory_space<vmem>>, vector<16xf32>,
          %get3A_643 = arith.index_cast %add3A_628 : i32 to index
          %get3A_644 = arith.constant 32 : index
          %get3A_645 = tpu.vector_load %arg10[%get3A_643, %get3A_644] {strides = array<i32>} : memref<128x128xf32, #tpu.memory_space<vmem>>, vector<16xf32>,
          %mul3A_646 = arith.mulf %get3A_645, %gather3A_262 : vector<16xf32>
          %swap3A_647 = arith.index_cast %add3A_628 : i32 to index
          %swap3A_648 = arith.constant 32 : index
          %swap3A_649 = tpu.vector_load %arg10[%swap3A_647, %swap3A_648] {strides = array<i32>} : memref<128x128xf32, #tpu.memory_space<vmem>>, vector<16xf32>,
          tpu.vector_store %arg10[%swap3A_647, %swap3A_648], %mul3A_646 {strides = array<i32>} : memref<128x128xf32, #tpu.memory_space<vmem>>, vector<16xf32>,
          %get3A_650 = arith.index_cast %add3A_628 : i32 to index
          %get3A_651 = arith.constant 48 : index
          %get3A_652 = tpu.vector_load %arg10[%get3A_650, %get3A_651] {strides = array<i32>} : memref<128x128xf32, #tpu.memory_space<vmem>>, vector<16xf32>,
          %mul3A_653 = arith.mulf %get3A_652, %gather3A_262 : vector<16xf32>
          %swap3A_654 = arith.index_cast %add3A_628 : i32 to index
          %swap3A_655 = arith.constant 48 : index
          %swap3A_656 = tpu.vector_load %arg10[%swap3A_654, %swap3A_655] {strides = array<i32>} : memref<128x128xf32, #tpu.memory_space<vmem>>, vector<16xf32>,
          tpu.vector_store %arg10[%swap3A_654, %swap3A_655], %mul3A_653 {strides = array<i32>} : memref<128x128xf32, #tpu.memory_space<vmem>>, vector<16xf32>,
          %get3A_657 = arith.index_cast %add3A_628 : i32 to index
          %get3A_658 = arith.constant 64 : index
          %get3A_659 = tpu.vector_load %arg10[%get3A_657, %get3A_658] {strides = array<i32>} : memref<128x128xf32, #tpu.memory_space<vmem>>, vector<16xf32>,
          %mul3A_660 = arith.mulf %get3A_659, %gather3A_262 : vector<16xf32>
          %swap3A_661 = arith.index_cast %add3A_628 : i32 to index
          %swap3A_662 = arith.constant 64 : index
          %swap3A_663 = tpu.vector_load %arg10[%swap3A_661, %swap3A_662] {strides = array<i32>} : memref<128x128xf32, #tpu.memory_space<vmem>>, vector<16xf32>,
          tpu.vector_store %arg10[%swap3A_661, %swap3A_662], %mul3A_660 {strides = array<i32>} : memref<128x128xf32, #tpu.memory_space<vmem>>, vector<16xf32>,
          %get3A_664 = arith.index_cast %add3A_628 : i32 to index
          %get3A_665 = arith.constant 80 : index
          %get3A_666 = tpu.vector_load %arg10[%get3A_664, %get3A_665] {strides = array<i32>} : memref<128x128xf32, #tpu.memory_space<vmem>>, vector<16xf32>,
          %mul3A_667 = arith.mulf %get3A_666, %gather3A_262 : vector<16xf32>
          %swap3A_668 = arith.index_cast %add3A_628 : i32 to index
          %swap3A_669 = arith.constant 80 : index
          %swap3A_670 = tpu.vector_load %arg10[%swap3A_668, %swap3A_669] {strides = array<i32>} : memref<128x128xf32, #tpu.memory_space<vmem>>, vector<16xf32>,
          tpu.vector_store %arg10[%swap3A_668, %swap3A_669], %mul3A_667 {strides = array<i32>} : memref<128x128xf32, #tpu.memory_space<vmem>>, vector<16xf32>,
          %get3A_671 = arith.index_cast %add3A_628 : i32 to index
          %get3A_672 = arith.constant 96 : index
          %get3A_673 = tpu.vector_load %arg10[%get3A_671, %get3A_672] {strides = array<i32>} : memref<128x128xf32, #tpu.memory_space<vmem>>, vector<16xf32>,
          %mul3A_674 = arith.mulf %get3A_673, %gather3A_262 : vector<16xf32>
          %swap3A_675 = arith.index_cast %add3A_628 : i32 to index
          %swap3A_676 = arith.constant 96 : index
          %swap3A_677 = tpu.vector_load %arg10[%swap3A_675, %swap3A_676] {strides = array<i32>} : memref<128x128xf32, #tpu.memory_space<vmem>>, vector<16xf32>,
          tpu.vector_store %arg10[%swap3A_675, %swap3A_676], %mul3A_674 {strides = array<i32>} : memref<128x128xf32, #tpu.memory_space<vmem>>, vector<16xf32>,
          %get3A_678 = arith.index_cast %add3A_628 : i32 to index
          %get3A_679 = arith.constant 112 : index
          %get3A_680 = tpu.vector_load %arg10[%get3A_678, %get3A_679] {strides = array<i32>} : memref<128x128xf32, #tpu.memory_space<vmem>>, vector<16xf32>,
          %mul3A_681 = arith.mulf %get3A_680, %gather3A_262 : vector<16xf32>
          %swap3A_682 = arith.index_cast %add3A_628 : i32 to index
          %swap3A_683 = arith.constant 112 : index
          %swap3A_684 = tpu.vector_load %arg10[%swap3A_682, %swap3A_683] {strides = array<i32>} : memref<128x128xf32, #tpu.memory_space<vmem>>, vector<16xf32>,
          tpu.vector_store %arg10[%swap3A_682, %swap3A_683], %mul3A_681 {strides = array<i32>} : memref<128x128xf32, #tpu.memory_space<vmem>>, vector<16xf32>,
          %mul3A_685 = arith.constant 8 : i32
          %mul3A_686 = arith.muli %scan3A_232, %mul3A_685 : i32
          %add3A_687 = arith.constant 7 : i32
          %add3A_688 = arith.addi %mul3A_686, %add3A_687 : i32
          %get3A_689 = arith.index_cast %add3A_688 : i32 to index
          %get3A_690 = arith.constant 0 : index
          %get3A_691 = tpu.vector_load %arg10[%get3A_689, %get3A_690] {strides = array<i32>} : memref<128x128xf32, #tpu.memory_space<vmem>>, vector<16xf32>,
          %mul3A_692 = arith.mulf %get3A_691, %gather3A_266 : vector<16xf32>
          %swap3A_693 = arith.index_cast %add3A_688 : i32 to index
          %swap3A_694 = arith.constant 0 : index
          %swap3A_695 = tpu.vector_load %arg10[%swap3A_693, %swap3A_694] {strides = array<i32>} : memref<128x128xf32, #tpu.memory_space<vmem>>, vector<16xf32>,
          tpu.vector_store %arg10[%swap3A_693, %swap3A_694], %mul3A_692 {strides = array<i32>} : memref<128x128xf32, #tpu.memory_space<vmem>>, vector<16xf32>,
          %get3A_696 = arith.index_cast %add3A_688 : i32 to index
          %get3A_697 = arith.constant 16 : index
          %get3A_698 = tpu.vector_load %arg10[%get3A_696, %get3A_697] {strides = array<i32>} : memref<128x128xf32, #tpu.memory_space<vmem>>, vector<16xf32>,
          %mul3A_699 = arith.mulf %get3A_698, %gather3A_266 : vector<16xf32>
          %swap3A_700 = arith.index_cast %add3A_688 : i32 to index
          %swap3A_701 = arith.constant 16 : index
          %swap3A_702 = tpu.vector_load %arg10[%swap3A_700, %swap3A_701] {strides = array<i32>} : memref<128x128xf32, #tpu.memory_space<vmem>>, vector<16xf32>,
          tpu.vector_store %arg10[%swap3A_700, %swap3A_701], %mul3A_699 {strides = array<i32>} : memref<128x128xf32, #tpu.memory_space<vmem>>, vector<16xf32>,
          %get3A_703 = arith.index_cast %add3A_688 : i32 to index
          %get3A_704 = arith.constant 32 : index
          %get3A_705 = tpu.vector_load %arg10[%get3A_703, %get3A_704] {strides = array<i32>} : memref<128x128xf32, #tpu.memory_space<vmem>>, vector<16xf32>,
          %mul3A_706 = arith.mulf %get3A_705, %gather3A_266 : vector<16xf32>
          %swap3A_707 = arith.index_cast %add3A_688 : i32 to index
          %swap3A_708 = arith.constant 32 : index
          %swap3A_709 = tpu.vector_load %arg10[%swap3A_707, %swap3A_708] {strides = array<i32>} : memref<128x128xf32, #tpu.memory_space<vmem>>, vector<16xf32>,
          tpu.vector_store %arg10[%swap3A_707, %swap3A_708], %mul3A_706 {strides = array<i32>} : memref<128x128xf32, #tpu.memory_space<vmem>>, vector<16xf32>,
          %get3A_710 = arith.index_cast %add3A_688 : i32 to index
          %get3A_711 = arith.constant 48 : index
          %get3A_712 = tpu.vector_load %arg10[%get3A_710, %get3A_711] {strides = array<i32>} : memref<128x128xf32, #tpu.memory_space<vmem>>, vector<16xf32>,
          %mul3A_713 = arith.mulf %get3A_712, %gather3A_266 : vector<16xf32>
          %swap3A_714 = arith.index_cast %add3A_688 : i32 to index
          %swap3A_715 = arith.constant 48 : index
          %swap3A_716 = tpu.vector_load %arg10[%swap3A_714, %swap3A_715] {strides = array<i32>} : memref<128x128xf32, #tpu.memory_space<vmem>>, vector<16xf32>,
          tpu.vector_store %arg10[%swap3A_714, %swap3A_715], %mul3A_713 {strides = array<i32>} : memref<128x128xf32, #tpu.memory_space<vmem>>, vector<16xf32>,
          %get3A_717 = arith.index_cast %add3A_688 : i32 to index
          %get3A_718 = arith.constant 64 : index
          %get3A_719 = tpu.vector_load %arg10[%get3A_717, %get3A_718] {strides = array<i32>} : memref<128x128xf32, #tpu.memory_space<vmem>>, vector<16xf32>,
          %mul3A_720 = arith.mulf %get3A_719, %gather3A_266 : vector<16xf32>
          %swap3A_721 = arith.index_cast %add3A_688 : i32 to index
          %swap3A_722 = arith.constant 64 : index
          %swap3A_723 = tpu.vector_load %arg10[%swap3A_721, %swap3A_722] {strides = array<i32>} : memref<128x128xf32, #tpu.memory_space<vmem>>, vector<16xf32>,
          tpu.vector_store %arg10[%swap3A_721, %swap3A_722], %mul3A_720 {strides = array<i32>} : memref<128x128xf32, #tpu.memory_space<vmem>>, vector<16xf32>,
          %get3A_724 = arith.index_cast %add3A_688 : i32 to index
          %get3A_725 = arith.constant 80 : index
          %get3A_726 = tpu.vector_load %arg10[%get3A_724, %get3A_725] {strides = array<i32>} : memref<128x128xf32, #tpu.memory_space<vmem>>, vector<16xf32>,
          %mul3A_727 = arith.mulf %get3A_726, %gather3A_266 : vector<16xf32>
          %swap3A_728 = arith.index_cast %add3A_688 : i32 to index
          %swap3A_729 = arith.constant 80 : index
          %swap3A_730 = tpu.vector_load %arg10[%swap3A_728, %swap3A_729] {strides = array<i32>} : memref<128x128xf32, #tpu.memory_space<vmem>>, vector<16xf32>,
          tpu.vector_store %arg10[%swap3A_728, %swap3A_729], %mul3A_727 {strides = array<i32>} : memref<128x128xf32, #tpu.memory_space<vmem>>, vector<16xf32>,
          %get3A_731 = arith.index_cast %add3A_688 : i32 to index
          %get3A_732 = arith.constant 96 : index
          %get3A_733 = tpu.vector_load %arg10[%get3A_731, %get3A_732] {strides = array<i32>} : memref<128x128xf32, #tpu.memory_space<vmem>>, vector<16xf32>,
          %mul3A_734 = arith.mulf %get3A_733, %gather3A_266 : vector<16xf32>
          %swap3A_735 = arith.index_cast %add3A_688 : i32 to index
          %swap3A_736 = arith.constant 96 : index
          %swap3A_737 = tpu.vector_load %arg10[%swap3A_735, %swap3A_736] {strides = array<i32>} : memref<128x128xf32, #tpu.memory_space<vmem>>, vector<16xf32>,
          tpu.vector_store %arg10[%swap3A_735, %swap3A_736], %mul3A_734 {strides = array<i32>} : memref<128x128xf32, #tpu.memory_space<vmem>>, vector<16xf32>,
          %get3A_738 = arith.index_cast %add3A_688 : i32 to index
          %get3A_739 = arith.constant 112 : index
          %get3A_740 = tpu.vector_load %arg10[%get3A_738, %get3A_739] {strides = array<i32>} : memref<128x128xf32, #tpu.memory_space<vmem>>, vector<16xf32>,
          %mul3A_741 = arith.mulf %get3A_740, %gather3A_266 : vector<16xf32>
          %swap3A_742 = arith.index_cast %add3A_688 : i32 to index
          %swap3A_743 = arith.constant 112 : index
          %swap3A_744 = tpu.vector_load %arg10[%swap3A_742, %swap3A_743] {strides = array<i32>} : memref<128x128xf32, #tpu.memory_space<vmem>>, vector<16xf32>,
          tpu.vector_store %arg10[%swap3A_742, %swap3A_743], %mul3A_741 {strides = array<i32>} : memref<128x128xf32, #tpu.memory_space<vmem>>, vector<16xf32>,
          %scan3A_745 = arith.constant 0 : i32
          scf.yield %scan3A_745 : i32
        }
        %scan3A_203 = arith.constant 16 : i32
        "tpu.region"() ({
          %run_scoped3A = tpu.sem_alloc : memref<!tpu.dma_semaphore, #tpu.memory_space<semaphore_mem>>
          %dma_start3A_232 = arith.constant 0 : i32
          %dma_start3A_233 = tpu.memref_slice %arg8[%add3A_180, %dma_start3A_232] : memref<16x128xi32, #tpu.memory_space<vmem>> -> memref<1x128xi32, #tpu.memory_space<vmem>>
          %dma_start3A_234 = tpu.memref_squeeze %dma_start3A_233 : memref<1x128xi32, #tpu.memory_space<vmem>> -> memref<128xi32, #tpu.memory_space<vmem>>
          %dma_start3A_235 = arith.constant 0 : i32
          %dma_start3A_236 = arith.constant 0 : i32
          %dma_start3A_237 = tpu.memref_slice %arg12[%dma_start3A_235, %dma_start3A_236] : memref<10240x128xf32, #tpu.memory_space<vmem_shared>> -> memref<10240x128xf32, #tpu.memory_space<vmem_shared>>
          tpu.enqueue_indirect_dma source(%arg10 : memref<128x128xf32, #tpu.memory_space<vmem>>) target(%dma_start3A_237 : memref<10240x128xf32, #tpu.memory_space<vmem_shared>>) offsets(%dma_start3A_234 : memref<128xi32, #tpu.memory_space<vmem>>) semaphore(%run_scoped3A : memref<!tpu.dma_semaphore, #tpu.memory_space<semaphore_mem>>) {add = true}
          %dma_wait3A_238 = arith.constant 0 : i32
          %dma_wait3A_239 = tpu.memref_slice %arg8[%add3A_180, %dma_wait3A_238] : memref<16x128xi32, #tpu.memory_space<vmem>> -> memref<1x128xi32, #tpu.memory_space<vmem>>
          %dma_wait3A_240 = tpu.memref_squeeze %dma_wait3A_239 : memref<1x128xi32, #tpu.memory_space<vmem>> -> memref<128xi32, #tpu.memory_space<vmem>>
          %dma_wait3A_241 = arith.constant 0 : i32
          %dma_wait3A_242 = arith.constant 0 : i32
          %dma_wait3A_243 = tpu.memref_slice %arg12[%dma_wait3A_241, %dma_wait3A_242] : memref<10240x128xf32, #tpu.memory_space<vmem_shared>> -> memref<10240x128xf32, #tpu.memory_space<vmem_shared>>
          tpu.wait_indirect_dma semaphore(%run_scoped3A : memref<!tpu.dma_semaphore, #tpu.memory_space<semaphore_mem>>) src(%arg10 : memref<128x128xf32, #tpu.memory_space<vmem>>) dst(%dma_wait3A_243 : memref<10240x128xf32, #tpu.memory_space<vmem_shared>>)
          tpu.yield
        }) : () -> ()
        %add3A_204 = arith.constant 2 : i32
        %add3A_205 = arith.addi %add3A_175, %add3A_204 : i32
        %dma_start3A_206 = arith.constant 0 : i32
        %dma_start3A_207 = tpu.memref_slice %arg7[%add3A_205, %dma_start3A_206] : memref<82x128xi32, #tpu.memory_space<vmem>> -> memref<1x128xi32, #tpu.memory_space<vmem>>
        %dma_start3A_208 = tpu.memref_squeeze %dma_start3A_207 : memref<1x128xi32, #tpu.memory_space<vmem>> -> memref<128xi32, #tpu.memory_space<vmem>>
        %dma_start3A_209 = arith.constant 0 : i32
        %dma_start3A_210 = arith.constant 0 : i32
        %dma_start3A_211 = tpu.memref_slice %arg2[%dma_start3A_209, %dma_start3A_210] : memref<10000x128xf32, #tpu.memory_space<hbm>> -> memref<10000x128xf32, #tpu.memory_space<hbm>>
        tpu.enqueue_indirect_dma source(%dma_start3A_211 : memref<10000x128xf32, #tpu.memory_space<hbm>>) target(%arg10 : memref<128x128xf32, #tpu.memory_space<vmem>>) offsets(%dma_start3A_208 : memref<128xi32, #tpu.memory_space<vmem>>) semaphore(%arg13 : memref<!tpu.dma_semaphore, #tpu.memory_space<semaphore_mem>>)
        %add3A_212 = arith.constant 1 : i32
        %add3A_213 = arith.addi %add3A_175, %add3A_212 : i32
        %dma_wait3A_214 = arith.constant 0 : i32
        %dma_wait3A_215 = tpu.memref_slice %arg7[%add3A_213, %dma_wait3A_214] : memref<82x128xi32, #tpu.memory_space<vmem>> -> memref<1x128xi32, #tpu.memory_space<vmem>>
        %dma_wait3A_216 = tpu.memref_squeeze %dma_wait3A_215 : memref<1x128xi32, #tpu.memory_space<vmem>> -> memref<128xi32, #tpu.memory_space<vmem>>
        %dma_wait3A_217 = arith.constant 0 : i32
        %dma_wait3A_218 = arith.constant 0 : i32
        %dma_wait3A_219 = tpu.memref_slice %arg2[%dma_wait3A_217, %dma_wait3A_218] : memref<10000x128xf32, #tpu.memory_space<hbm>> -> memref<10000x128xf32, #tpu.memory_space<hbm>>
        tpu.wait_indirect_dma semaphore(%arg14 : memref<!tpu.dma_semaphore, #tpu.memory_space<semaphore_mem>>) src(%dma_wait3A_219 : memref<10000x128xf32, #tpu.memory_space<hbm>>) dst(%arg11 : memref<128x128xf32, #tpu.memory_space<vmem>>)
        %add3A_220 = arith.constant 1 : i32
        %add3A_221 = arith.addi %add3A_180, %add3A_220 : i32
        %mul3A_222 = arith.constant 128 : i32
        %mul3A_223 = arith.muli %add3A_221, %mul3A_222 : i32
        %scan3A_224 = arith.constant 0 : i32
        %scan3A_225 = arith.constant 0 : i32
        %scan3A_226 = arith.constant 16 : i32
        %scan3A_227 = arith.addi %scan3A_225, %scan3A_226 : i32
        %scan3A_228 = arith.constant 1 : i32
        %scan3A_229 = scf.for %scan3A_232 = %scan3A_225 to %scan3A_227 step %scan3A_228 iter_args(%scan3A_233 = %scan3A_224) -> (i32)  : i32 {
          %mul3A_234 = arith.constant 8 : i32
          %mul3A_235 = arith.muli %scan3A_232, %mul3A_234 : i32
          %add3A_236 = arith.addi %mul3A_223, %mul3A_235 : i32
          %add3A_237 = arith.constant 0 : i32
          %add3A_238 = arith.addi %add3A_236, %add3A_237 : i32
          %broadcast_in_dim3A = vector.broadcast %add3A_238 : i32 to vector<16xi32>
          %gather3A = tpu.vector_load_idx %arg9[%broadcast_in_dim3A] : memref<2048xf32, #tpu.memory_space<vmem>>[vector<16xi32>], vector<16xf32>,
          %add3A_239 = arith.constant 1 : i32
          %add3A_240 = arith.addi %add3A_236, %add3A_239 : i32
          %broadcast_in_dim3A_241 = vector.broadcast %add3A_240 : i32 to vector<16xi32>
          %gather3A_242 = tpu.vector_load_idx %arg9[%broadcast_in_dim3A_241] : memref<2048xf32, #tpu.memory_space<vmem>>[vector<16xi32>], vector<16xf32>,
          %add3A_243 = arith.constant 2 : i32
          %add3A_244 = arith.addi %add3A_236, %add3A_243 : i32
          %broadcast_in_dim3A_245 = vector.broadcast %add3A_244 : i32 to vector<16xi32>
          %gather3A_246 = tpu.vector_load_idx %arg9[%broadcast_in_dim3A_245] : memref<2048xf32, #tpu.memory_space<vmem>>[vector<16xi32>], vector<16xf32>,
          %add3A_247 = arith.constant 3 : i32
          %add3A_248 = arith.addi %add3A_236, %add3A_247 : i32
          %broadcast_in_dim3A_249 = vector.broadcast %add3A_248 : i32 to vector<16xi32>
          %gather3A_250 = tpu.vector_load_idx %arg9[%broadcast_in_dim3A_249] : memref<2048xf32, #tpu.memory_space<vmem>>[vector<16xi32>], vector<16xf32>,
          %add3A_251 = arith.constant 4 : i32
          %add3A_252 = arith.addi %add3A_236, %add3A_251 : i32
          %broadcast_in_dim3A_253 = vector.broadcast %add3A_252 : i32 to vector<16xi32>
          %gather3A_254 = tpu.vector_load_idx %arg9[%broadcast_in_dim3A_253] : memref<2048xf32, #tpu.memory_space<vmem>>[vector<16xi32>], vector<16xf32>,
          %add3A_255 = arith.constant 5 : i32
          %add3A_256 = arith.addi %add3A_236, %add3A_255 : i32
          %broadcast_in_dim3A_257 = vector.broadcast %add3A_256 : i32 to vector<16xi32>
          %gather3A_258 = tpu.vector_load_idx %arg9[%broadcast_in_dim3A_257] : memref<2048xf32, #tpu.memory_space<vmem>>[vector<16xi32>], vector<16xf32>,
          %add3A_259 = arith.constant 6 : i32
          %add3A_260 = arith.addi %add3A_236, %add3A_259 : i32
          %broadcast_in_dim3A_261 = vector.broadcast %add3A_260 : i32 to vector<16xi32>
          %gather3A_262 = tpu.vector_load_idx %arg9[%broadcast_in_dim3A_261] : memref<2048xf32, #tpu.memory_space<vmem>>[vector<16xi32>], vector<16xf32>,
          %add3A_263 = arith.constant 7 : i32
          %add3A_264 = arith.addi %add3A_236, %add3A_263 : i32
          %broadcast_in_dim3A_265 = vector.broadcast %add3A_264 : i32 to vector<16xi32>
          %gather3A_266 = tpu.vector_load_idx %arg9[%broadcast_in_dim3A_265] : memref<2048xf32, #tpu.memory_space<vmem>>[vector<16xi32>], vector<16xf32>,
          %mul3A_267 = arith.constant 8 : i32
          %mul3A_268 = arith.muli %scan3A_232, %mul3A_267 : i32
          %add3A_269 = arith.constant 0 : i32
          %add3A_270 = arith.addi %mul3A_268, %add3A_269 : i32
          %get3A = arith.index_cast %add3A_270 : i32 to index
          %get3A_271 = arith.constant 0 : index
          %get3A_272 = tpu.vector_load %arg11[%get3A, %get3A_271] {strides = array<i32>} : memref<128x128xf32, #tpu.memory_space<vmem>>, vector<16xf32>,
          %mul3A_273 = arith.mulf %get3A_272, %gather3A : vector<16xf32>
          %swap3A = arith.index_cast %add3A_270 : i32 to index
          %swap3A_274 = arith.constant 0 : index
          %swap3A_275 = tpu.vector_load %arg11[%swap3A, %swap3A_274] {strides = array<i32>} : memref<128x128xf32, #tpu.memory_space<vmem>>, vector<16xf32>,
          tpu.vector_store %arg11[%swap3A, %swap3A_274], %mul3A_273 {strides = array<i32>} : memref<128x128xf32, #tpu.memory_space<vmem>>, vector<16xf32>,
          %get3A_276 = arith.index_cast %add3A_270 : i32 to index
          %get3A_277 = arith.constant 16 : index
          %get3A_278 = tpu.vector_load %arg11[%get3A_276, %get3A_277] {strides = array<i32>} : memref<128x128xf32, #tpu.memory_space<vmem>>, vector<16xf32>,
          %mul3A_279 = arith.mulf %get3A_278, %gather3A : vector<16xf32>
          %swap3A_280 = arith.index_cast %add3A_270 : i32 to index
          %swap3A_281 = arith.constant 16 : index
          %swap3A_282 = tpu.vector_load %arg11[%swap3A_280, %swap3A_281] {strides = array<i32>} : memref<128x128xf32, #tpu.memory_space<vmem>>, vector<16xf32>,
          tpu.vector_store %arg11[%swap3A_280, %swap3A_281], %mul3A_279 {strides = array<i32>} : memref<128x128xf32, #tpu.memory_space<vmem>>, vector<16xf32>,
          %get3A_283 = arith.index_cast %add3A_270 : i32 to index
          %get3A_284 = arith.constant 32 : index
          %get3A_285 = tpu.vector_load %arg11[%get3A_283, %get3A_284] {strides = array<i32>} : memref<128x128xf32, #tpu.memory_space<vmem>>, vector<16xf32>,
          %mul3A_286 = arith.mulf %get3A_285, %gather3A : vector<16xf32>
          %swap3A_287 = arith.index_cast %add3A_270 : i32 to index
          %swap3A_288 = arith.constant 32 : index
          %swap3A_289 = tpu.vector_load %arg11[%swap3A_287, %swap3A_288] {strides = array<i32>} : memref<128x128xf32, #tpu.memory_space<vmem>>, vector<16xf32>,
          tpu.vector_store %arg11[%swap3A_287, %swap3A_288], %mul3A_286 {strides = array<i32>} : memref<128x128xf32, #tpu.memory_space<vmem>>, vector<16xf32>,
          %get3A_290 = arith.index_cast %add3A_270 : i32 to index
          %get3A_291 = arith.constant 48 : index
          %get3A_292 = tpu.vector_load %arg11[%get3A_290, %get3A_291] {strides = array<i32>} : memref<128x128xf32, #tpu.memory_space<vmem>>, vector<16xf32>,
          %mul3A_293 = arith.mulf %get3A_292, %gather3A : vector<16xf32>
          %swap3A_294 = arith.index_cast %add3A_270 : i32 to index
          %swap3A_295 = arith.constant 48 : index
          %swap3A_296 = tpu.vector_load %arg11[%swap3A_294, %swap3A_295] {strides = array<i32>} : memref<128x128xf32, #tpu.memory_space<vmem>>, vector<16xf32>,
          tpu.vector_store %arg11[%swap3A_294, %swap3A_295], %mul3A_293 {strides = array<i32>} : memref<128x128xf32, #tpu.memory_space<vmem>>, vector<16xf32>,
          %get3A_297 = arith.index_cast %add3A_270 : i32 to index
          %get3A_298 = arith.constant 64 : index
          %get3A_299 = tpu.vector_load %arg11[%get3A_297, %get3A_298] {strides = array<i32>} : memref<128x128xf32, #tpu.memory_space<vmem>>, vector<16xf32>,
          %mul3A_300 = arith.mulf %get3A_299, %gather3A : vector<16xf32>
          %swap3A_301 = arith.index_cast %add3A_270 : i32 to index
          %swap3A_302 = arith.constant 64 : index
          %swap3A_303 = tpu.vector_load %arg11[%swap3A_301, %swap3A_302] {strides = array<i32>} : memref<128x128xf32, #tpu.memory_space<vmem>>, vector<16xf32>,
          tpu.vector_store %arg11[%swap3A_301, %swap3A_302], %mul3A_300 {strides = array<i32>} : memref<128x128xf32, #tpu.memory_space<vmem>>, vector<16xf32>,
          %get3A_304 = arith.index_cast %add3A_270 : i32 to index
          %get3A_305 = arith.constant 80 : index
          %get3A_306 = tpu.vector_load %arg11[%get3A_304, %get3A_305] {strides = array<i32>} : memref<128x128xf32, #tpu.memory_space<vmem>>, vector<16xf32>,
          %mul3A_307 = arith.mulf %get3A_306, %gather3A : vector<16xf32>
          %swap3A_308 = arith.index_cast %add3A_270 : i32 to index
          %swap3A_309 = arith.constant 80 : index
          %swap3A_310 = tpu.vector_load %arg11[%swap3A_308, %swap3A_309] {strides = array<i32>} : memref<128x128xf32, #tpu.memory_space<vmem>>, vector<16xf32>,
          tpu.vector_store %arg11[%swap3A_308, %swap3A_309], %mul3A_307 {strides = array<i32>} : memref<128x128xf32, #tpu.memory_space<vmem>>, vector<16xf32>,
          %get3A_311 = arith.index_cast %add3A_270 : i32 to index
          %get3A_312 = arith.constant 96 : index
          %get3A_313 = tpu.vector_load %arg11[%get3A_311, %get3A_312] {strides = array<i32>} : memref<128x128xf32, #tpu.memory_space<vmem>>, vector<16xf32>,
          %mul3A_314 = arith.mulf %get3A_313, %gather3A : vector<16xf32>
          %swap3A_315 = arith.index_cast %add3A_270 : i32 to index
          %swap3A_316 = arith.constant 96 : index
          %swap3A_317 = tpu.vector_load %arg11[%swap3A_315, %swap3A_316] {strides = array<i32>} : memref<128x128xf32, #tpu.memory_space<vmem>>, vector<16xf32>,
          tpu.vector_store %arg11[%swap3A_315, %swap3A_316], %mul3A_314 {strides = array<i32>} : memref<128x128xf32, #tpu.memory_space<vmem>>, vector<16xf32>,
          %get3A_318 = arith.index_cast %add3A_270 : i32 to index
          %get3A_319 = arith.constant 112 : index
          %get3A_320 = tpu.vector_load %arg11[%get3A_318, %get3A_319] {strides = array<i32>} : memref<128x128xf32, #tpu.memory_space<vmem>>, vector<16xf32>,
          %mul3A_321 = arith.mulf %get3A_320, %gather3A : vector<16xf32>
          %swap3A_322 = arith.index_cast %add3A_270 : i32 to index
          %swap3A_323 = arith.constant 112 : index
          %swap3A_324 = tpu.vector_load %arg11[%swap3A_322, %swap3A_323] {strides = array<i32>} : memref<128x128xf32, #tpu.memory_space<vmem>>, vector<16xf32>,
          tpu.vector_store %arg11[%swap3A_322, %swap3A_323], %mul3A_321 {strides = array<i32>} : memref<128x128xf32, #tpu.memory_space<vmem>>, vector<16xf32>,
          %mul3A_325 = arith.constant 8 : i32
          %mul3A_326 = arith.muli %scan3A_232, %mul3A_325 : i32
          %add3A_327 = arith.constant 1 : i32
          %add3A_328 = arith.addi %mul3A_326, %add3A_327 : i32
          %get3A_329 = arith.index_cast %add3A_328 : i32 to index
          %get3A_330 = arith.constant 0 : index
          %get3A_331 = tpu.vector_load %arg11[%get3A_329, %get3A_330] {strides = array<i32>} : memref<128x128xf32, #tpu.memory_space<vmem>>, vector<16xf32>,
          %mul3A_332 = arith.mulf %get3A_331, %gather3A_242 : vector<16xf32>
          %swap3A_333 = arith.index_cast %add3A_328 : i32 to index
          %swap3A_334 = arith.constant 0 : index
          %swap3A_335 = tpu.vector_load %arg11[%swap3A_333, %swap3A_334] {strides = array<i32>} : memref<128x128xf32, #tpu.memory_space<vmem>>, vector<16xf32>,
          tpu.vector_store %arg11[%swap3A_333, %swap3A_334], %mul3A_332 {strides = array<i32>} : memref<128x128xf32, #tpu.memory_space<vmem>>, vector<16xf32>,
          %get3A_336 = arith.index_cast %add3A_328 : i32 to index
          %get3A_337 = arith.constant 16 : index
          %get3A_338 = tpu.vector_load %arg11[%get3A_336, %get3A_337] {strides = array<i32>} : memref<128x128xf32, #tpu.memory_space<vmem>>, vector<16xf32>,
          %mul3A_339 = arith.mulf %get3A_338, %gather3A_242 : vector<16xf32>
          %swap3A_340 = arith.index_cast %add3A_328 : i32 to index
          %swap3A_341 = arith.constant 16 : index
          %swap3A_342 = tpu.vector_load %arg11[%swap3A_340, %swap3A_341] {strides = array<i32>} : memref<128x128xf32, #tpu.memory_space<vmem>>, vector<16xf32>,
          tpu.vector_store %arg11[%swap3A_340, %swap3A_341], %mul3A_339 {strides = array<i32>} : memref<128x128xf32, #tpu.memory_space<vmem>>, vector<16xf32>,
          %get3A_343 = arith.index_cast %add3A_328 : i32 to index
          %get3A_344 = arith.constant 32 : index
          %get3A_345 = tpu.vector_load %arg11[%get3A_343, %get3A_344] {strides = array<i32>} : memref<128x128xf32, #tpu.memory_space<vmem>>, vector<16xf32>,
          %mul3A_346 = arith.mulf %get3A_345, %gather3A_242 : vector<16xf32>
          %swap3A_347 = arith.index_cast %add3A_328 : i32 to index
          %swap3A_348 = arith.constant 32 : index
          %swap3A_349 = tpu.vector_load %arg11[%swap3A_347, %swap3A_348] {strides = array<i32>} : memref<128x128xf32, #tpu.memory_space<vmem>>, vector<16xf32>,
          tpu.vector_store %arg11[%swap3A_347, %swap3A_348], %mul3A_346 {strides = array<i32>} : memref<128x128xf32, #tpu.memory_space<vmem>>, vector<16xf32>,
          %get3A_350 = arith.index_cast %add3A_328 : i32 to index
          %get3A_351 = arith.constant 48 : index
          %get3A_352 = tpu.vector_load %arg11[%get3A_350, %get3A_351] {strides = array<i32>} : memref<128x128xf32, #tpu.memory_space<vmem>>, vector<16xf32>,
          %mul3A_353 = arith.mulf %get3A_352, %gather3A_242 : vector<16xf32>
          %swap3A_354 = arith.index_cast %add3A_328 : i32 to index
          %swap3A_355 = arith.constant 48 : index
          %swap3A_356 = tpu.vector_load %arg11[%swap3A_354, %swap3A_355] {strides = array<i32>} : memref<128x128xf32, #tpu.memory_space<vmem>>, vector<16xf32>,
          tpu.vector_store %arg11[%swap3A_354, %swap3A_355], %mul3A_353 {strides = array<i32>} : memref<128x128xf32, #tpu.memory_space<vmem>>, vector<16xf32>,
          %get3A_357 = arith.index_cast %add3A_328 : i32 to index
          %get3A_358 = arith.constant 64 : index
          %get3A_359 = tpu.vector_load %arg11[%get3A_357, %get3A_358] {strides = array<i32>} : memref<128x128xf32, #tpu.memory_space<vmem>>, vector<16xf32>,
          %mul3A_360 = arith.mulf %get3A_359, %gather3A_242 : vector<16xf32>
          %swap3A_361 = arith.index_cast %add3A_328 : i32 to index
          %swap3A_362 = arith.constant 64 : index
          %swap3A_363 = tpu.vector_load %arg11[%swap3A_361, %swap3A_362] {strides = array<i32>} : memref<128x128xf32, #tpu.memory_space<vmem>>, vector<16xf32>,
          tpu.vector_store %arg11[%swap3A_361, %swap3A_362], %mul3A_360 {strides = array<i32>} : memref<128x128xf32, #tpu.memory_space<vmem>>, vector<16xf32>,
          %get3A_364 = arith.index_cast %add3A_328 : i32 to index
          %get3A_365 = arith.constant 80 : index
          %get3A_366 = tpu.vector_load %arg11[%get3A_364, %get3A_365] {strides = array<i32>} : memref<128x128xf32, #tpu.memory_space<vmem>>, vector<16xf32>,
          %mul3A_367 = arith.mulf %get3A_366, %gather3A_242 : vector<16xf32>
          %swap3A_368 = arith.index_cast %add3A_328 : i32 to index
          %swap3A_369 = arith.constant 80 : index
          %swap3A_370 = tpu.vector_load %arg11[%swap3A_368, %swap3A_369] {strides = array<i32>} : memref<128x128xf32, #tpu.memory_space<vmem>>, vector<16xf32>,
          tpu.vector_store %arg11[%swap3A_368, %swap3A_369], %mul3A_367 {strides = array<i32>} : memref<128x128xf32, #tpu.memory_space<vmem>>, vector<16xf32>,
          %get3A_371 = arith.index_cast %add3A_328 : i32 to index
          %get3A_372 = arith.constant 96 : index
          %get3A_373 = tpu.vector_load %arg11[%get3A_371, %get3A_372] {strides = array<i32>} : memref<128x128xf32, #tpu.memory_space<vmem>>, vector<16xf32>,
          %mul3A_374 = arith.mulf %get3A_373, %gather3A_242 : vector<16xf32>
          %swap3A_375 = arith.index_cast %add3A_328 : i32 to index
          %swap3A_376 = arith.constant 96 : index
          %swap3A_377 = tpu.vector_load %arg11[%swap3A_375, %swap3A_376] {strides = array<i32>} : memref<128x128xf32, #tpu.memory_space<vmem>>, vector<16xf32>,
          tpu.vector_store %arg11[%swap3A_375, %swap3A_376], %mul3A_374 {strides = array<i32>} : memref<128x128xf32, #tpu.memory_space<vmem>>, vector<16xf32>,
          %get3A_378 = arith.index_cast %add3A_328 : i32 to index
          %get3A_379 = arith.constant 112 : index
          %get3A_380 = tpu.vector_load %arg11[%get3A_378, %get3A_379] {strides = array<i32>} : memref<128x128xf32, #tpu.memory_space<vmem>>, vector<16xf32>,
          %mul3A_381 = arith.mulf %get3A_380, %gather3A_242 : vector<16xf32>
          %swap3A_382 = arith.index_cast %add3A_328 : i32 to index
          %swap3A_383 = arith.constant 112 : index
          %swap3A_384 = tpu.vector_load %arg11[%swap3A_382, %swap3A_383] {strides = array<i32>} : memref<128x128xf32, #tpu.memory_space<vmem>>, vector<16xf32>,
          tpu.vector_store %arg11[%swap3A_382, %swap3A_383], %mul3A_381 {strides = array<i32>} : memref<128x128xf32, #tpu.memory_space<vmem>>, vector<16xf32>,
          %mul3A_385 = arith.constant 8 : i32
          %mul3A_386 = arith.muli %scan3A_232, %mul3A_385 : i32
          %add3A_387 = arith.constant 2 : i32
          %add3A_388 = arith.addi %mul3A_386, %add3A_387 : i32
          %get3A_389 = arith.index_cast %add3A_388 : i32 to index
          %get3A_390 = arith.constant 0 : index
          %get3A_391 = tpu.vector_load %arg11[%get3A_389, %get3A_390] {strides = array<i32>} : memref<128x128xf32, #tpu.memory_space<vmem>>, vector<16xf32>,
          %mul3A_392 = arith.mulf %get3A_391, %gather3A_246 : vector<16xf32>
          %swap3A_393 = arith.index_cast %add3A_388 : i32 to index
          %swap3A_394 = arith.constant 0 : index
          %swap3A_395 = tpu.vector_load %arg11[%swap3A_393, %swap3A_394] {strides = array<i32>} : memref<128x128xf32, #tpu.memory_space<vmem>>, vector<16xf32>,
          tpu.vector_store %arg11[%swap3A_393, %swap3A_394], %mul3A_392 {strides = array<i32>} : memref<128x128xf32, #tpu.memory_space<vmem>>, vector<16xf32>,
          %get3A_396 = arith.index_cast %add3A_388 : i32 to index
          %get3A_397 = arith.constant 16 : index
          %get3A_398 = tpu.vector_load %arg11[%get3A_396, %get3A_397] {strides = array<i32>} : memref<128x128xf32, #tpu.memory_space<vmem>>, vector<16xf32>,
          %mul3A_399 = arith.mulf %get3A_398, %gather3A_246 : vector<16xf32>
          %swap3A_400 = arith.index_cast %add3A_388 : i32 to index
          %swap3A_401 = arith.constant 16 : index
          %swap3A_402 = tpu.vector_load %arg11[%swap3A_400, %swap3A_401] {strides = array<i32>} : memref<128x128xf32, #tpu.memory_space<vmem>>, vector<16xf32>,
          tpu.vector_store %arg11[%swap3A_400, %swap3A_401], %mul3A_399 {strides = array<i32>} : memref<128x128xf32, #tpu.memory_space<vmem>>, vector<16xf32>,
          %get3A_403 = arith.index_cast %add3A_388 : i32 to index
          %get3A_404 = arith.constant 32 : index
          %get3A_405 = tpu.vector_load %arg11[%get3A_403, %get3A_404] {strides = array<i32>} : memref<128x128xf32, #tpu.memory_space<vmem>>, vector<16xf32>,
          %mul3A_406 = arith.mulf %get3A_405, %gather3A_246 : vector<16xf32>
          %swap3A_407 = arith.index_cast %add3A_388 : i32 to index
          %swap3A_408 = arith.constant 32 : index
          %swap3A_409 = tpu.vector_load %arg11[%swap3A_407, %swap3A_408] {strides = array<i32>} : memref<128x128xf32, #tpu.memory_space<vmem>>, vector<16xf32>,
          tpu.vector_store %arg11[%swap3A_407, %swap3A_408], %mul3A_406 {strides = array<i32>} : memref<128x128xf32, #tpu.memory_space<vmem>>, vector<16xf32>,
          %get3A_410 = arith.index_cast %add3A_388 : i32 to index
          %get3A_411 = arith.constant 48 : index
          %get3A_412 = tpu.vector_load %arg11[%get3A_410, %get3A_411] {strides = array<i32>} : memref<128x128xf32, #tpu.memory_space<vmem>>, vector<16xf32>,
          %mul3A_413 = arith.mulf %get3A_412, %gather3A_246 : vector<16xf32>
          %swap3A_414 = arith.index_cast %add3A_388 : i32 to index
          %swap3A_415 = arith.constant 48 : index
          %swap3A_416 = tpu.vector_load %arg11[%swap3A_414, %swap3A_415] {strides = array<i32>} : memref<128x128xf32, #tpu.memory_space<vmem>>, vector<16xf32>,
          tpu.vector_store %arg11[%swap3A_414, %swap3A_415], %mul3A_413 {strides = array<i32>} : memref<128x128xf32, #tpu.memory_space<vmem>>, vector<16xf32>,
          %get3A_417 = arith.index_cast %add3A_388 : i32 to index
          %get3A_418 = arith.constant 64 : index
          %get3A_419 = tpu.vector_load %arg11[%get3A_417, %get3A_418] {strides = array<i32>} : memref<128x128xf32, #tpu.memory_space<vmem>>, vector<16xf32>,
          %mul3A_420 = arith.mulf %get3A_419, %gather3A_246 : vector<16xf32>
          %swap3A_421 = arith.index_cast %add3A_388 : i32 to index
          %swap3A_422 = arith.constant 64 : index
          %swap3A_423 = tpu.vector_load %arg11[%swap3A_421, %swap3A_422] {strides = array<i32>} : memref<128x128xf32, #tpu.memory_space<vmem>>, vector<16xf32>,
          tpu.vector_store %arg11[%swap3A_421, %swap3A_422], %mul3A_420 {strides = array<i32>} : memref<128x128xf32, #tpu.memory_space<vmem>>, vector<16xf32>,
          %get3A_424 = arith.index_cast %add3A_388 : i32 to index
          %get3A_425 = arith.constant 80 : index
          %get3A_426 = tpu.vector_load %arg11[%get3A_424, %get3A_425] {strides = array<i32>} : memref<128x128xf32, #tpu.memory_space<vmem>>, vector<16xf32>,
          %mul3A_427 = arith.mulf %get3A_426, %gather3A_246 : vector<16xf32>
          %swap3A_428 = arith.index_cast %add3A_388 : i32 to index
          %swap3A_429 = arith.constant 80 : index
          %swap3A_430 = tpu.vector_load %arg11[%swap3A_428, %swap3A_429] {strides = array<i32>} : memref<128x128xf32, #tpu.memory_space<vmem>>, vector<16xf32>,
          tpu.vector_store %arg11[%swap3A_428, %swap3A_429], %mul3A_427 {strides = array<i32>} : memref<128x128xf32, #tpu.memory_space<vmem>>, vector<16xf32>,
          %get3A_431 = arith.index_cast %add3A_388 : i32 to index
          %get3A_432 = arith.constant 96 : index
          %get3A_433 = tpu.vector_load %arg11[%get3A_431, %get3A_432] {strides = array<i32>} : memref<128x128xf32, #tpu.memory_space<vmem>>, vector<16xf32>,
          %mul3A_434 = arith.mulf %get3A_433, %gather3A_246 : vector<16xf32>
          %swap3A_435 = arith.index_cast %add3A_388 : i32 to index
          %swap3A_436 = arith.constant 96 : index
          %swap3A_437 = tpu.vector_load %arg11[%swap3A_435, %swap3A_436] {strides = array<i32>} : memref<128x128xf32, #tpu.memory_space<vmem>>, vector<16xf32>,
          tpu.vector_store %arg11[%swap3A_435, %swap3A_436], %mul3A_434 {strides = array<i32>} : memref<128x128xf32, #tpu.memory_space<vmem>>, vector<16xf32>,
          %get3A_438 = arith.index_cast %add3A_388 : i32 to index
          %get3A_439 = arith.constant 112 : index
          %get3A_440 = tpu.vector_load %arg11[%get3A_438, %get3A_439] {strides = array<i32>} : memref<128x128xf32, #tpu.memory_space<vmem>>, vector<16xf32>,
          %mul3A_441 = arith.mulf %get3A_440, %gather3A_246 : vector<16xf32>
          %swap3A_442 = arith.index_cast %add3A_388 : i32 to index
          %swap3A_443 = arith.constant 112 : index
          %swap3A_444 = tpu.vector_load %arg11[%swap3A_442, %swap3A_443] {strides = array<i32>} : memref<128x128xf32, #tpu.memory_space<vmem>>, vector<16xf32>,
          tpu.vector_store %arg11[%swap3A_442, %swap3A_443], %mul3A_441 {strides = array<i32>} : memref<128x128xf32, #tpu.memory_space<vmem>>, vector<16xf32>,
          %mul3A_445 = arith.constant 8 : i32
          %mul3A_446 = arith.muli %scan3A_232, %mul3A_445 : i32
          %add3A_447 = arith.constant 3 : i32
          %add3A_448 = arith.addi %mul3A_446, %add3A_447 : i32
          %get3A_449 = arith.index_cast %add3A_448 : i32 to index
          %get3A_450 = arith.constant 0 : index
          %get3A_451 = tpu.vector_load %arg11[%get3A_449, %get3A_450] {strides = array<i32>} : memref<128x128xf32, #tpu.memory_space<vmem>>, vector<16xf32>,
          %mul3A_452 = arith.mulf %get3A_451, %gather3A_250 : vector<16xf32>
          %swap3A_453 = arith.index_cast %add3A_448 : i32 to index
          %swap3A_454 = arith.constant 0 : index
          %swap3A_455 = tpu.vector_load %arg11[%swap3A_453, %swap3A_454] {strides = array<i32>} : memref<128x128xf32, #tpu.memory_space<vmem>>, vector<16xf32>,
          tpu.vector_store %arg11[%swap3A_453, %swap3A_454], %mul3A_452 {strides = array<i32>} : memref<128x128xf32, #tpu.memory_space<vmem>>, vector<16xf32>,
          %get3A_456 = arith.index_cast %add3A_448 : i32 to index
          %get3A_457 = arith.constant 16 : index
          %get3A_458 = tpu.vector_load %arg11[%get3A_456, %get3A_457] {strides = array<i32>} : memref<128x128xf32, #tpu.memory_space<vmem>>, vector<16xf32>,
          %mul3A_459 = arith.mulf %get3A_458, %gather3A_250 : vector<16xf32>
          %swap3A_460 = arith.index_cast %add3A_448 : i32 to index
          %swap3A_461 = arith.constant 16 : index
          %swap3A_462 = tpu.vector_load %arg11[%swap3A_460, %swap3A_461] {strides = array<i32>} : memref<128x128xf32, #tpu.memory_space<vmem>>, vector<16xf32>,
          tpu.vector_store %arg11[%swap3A_460, %swap3A_461], %mul3A_459 {strides = array<i32>} : memref<128x128xf32, #tpu.memory_space<vmem>>, vector<16xf32>,
          %get3A_463 = arith.index_cast %add3A_448 : i32 to index
          %get3A_464 = arith.constant 32 : index
          %get3A_465 = tpu.vector_load %arg11[%get3A_463, %get3A_464] {strides = array<i32>} : memref<128x128xf32, #tpu.memory_space<vmem>>, vector<16xf32>,
          %mul3A_466 = arith.mulf %get3A_465, %gather3A_250 : vector<16xf32>
          %swap3A_467 = arith.index_cast %add3A_448 : i32 to index
          %swap3A_468 = arith.constant 32 : index
          %swap3A_469 = tpu.vector_load %arg11[%swap3A_467, %swap3A_468] {strides = array<i32>} : memref<128x128xf32, #tpu.memory_space<vmem>>, vector<16xf32>,
          tpu.vector_store %arg11[%swap3A_467, %swap3A_468], %mul3A_466 {strides = array<i32>} : memref<128x128xf32, #tpu.memory_space<vmem>>, vector<16xf32>,
          %get3A_470 = arith.index_cast %add3A_448 : i32 to index
          %get3A_471 = arith.constant 48 : index
          %get3A_472 = tpu.vector_load %arg11[%get3A_470, %get3A_471] {strides = array<i32>} : memref<128x128xf32, #tpu.memory_space<vmem>>, vector<16xf32>,
          %mul3A_473 = arith.mulf %get3A_472, %gather3A_250 : vector<16xf32>
          %swap3A_474 = arith.index_cast %add3A_448 : i32 to index
          %swap3A_475 = arith.constant 48 : index
          %swap3A_476 = tpu.vector_load %arg11[%swap3A_474, %swap3A_475] {strides = array<i32>} : memref<128x128xf32, #tpu.memory_space<vmem>>, vector<16xf32>,
          tpu.vector_store %arg11[%swap3A_474, %swap3A_475], %mul3A_473 {strides = array<i32>} : memref<128x128xf32, #tpu.memory_space<vmem>>, vector<16xf32>,
          %get3A_477 = arith.index_cast %add3A_448 : i32 to index
          %get3A_478 = arith.constant 64 : index
          %get3A_479 = tpu.vector_load %arg11[%get3A_477, %get3A_478] {strides = array<i32>} : memref<128x128xf32, #tpu.memory_space<vmem>>, vector<16xf32>,
          %mul3A_480 = arith.mulf %get3A_479, %gather3A_250 : vector<16xf32>
          %swap3A_481 = arith.index_cast %add3A_448 : i32 to index
          %swap3A_482 = arith.constant 64 : index
          %swap3A_483 = tpu.vector_load %arg11[%swap3A_481, %swap3A_482] {strides = array<i32>} : memref<128x128xf32, #tpu.memory_space<vmem>>, vector<16xf32>,
          tpu.vector_store %arg11[%swap3A_481, %swap3A_482], %mul3A_480 {strides = array<i32>} : memref<128x128xf32, #tpu.memory_space<vmem>>, vector<16xf32>,
          %get3A_484 = arith.index_cast %add3A_448 : i32 to index
          %get3A_485 = arith.constant 80 : index
          %get3A_486 = tpu.vector_load %arg11[%get3A_484, %get3A_485] {strides = array<i32>} : memref<128x128xf32, #tpu.memory_space<vmem>>, vector<16xf32>,
          %mul3A_487 = arith.mulf %get3A_486, %gather3A_250 : vector<16xf32>
          %swap3A_488 = arith.index_cast %add3A_448 : i32 to index
          %swap3A_489 = arith.constant 80 : index
          %swap3A_490 = tpu.vector_load %arg11[%swap3A_488, %swap3A_489] {strides = array<i32>} : memref<128x128xf32, #tpu.memory_space<vmem>>, vector<16xf32>,
          tpu.vector_store %arg11[%swap3A_488, %swap3A_489], %mul3A_487 {strides = array<i32>} : memref<128x128xf32, #tpu.memory_space<vmem>>, vector<16xf32>,
          %get3A_491 = arith.index_cast %add3A_448 : i32 to index
          %get3A_492 = arith.constant 96 : index
          %get3A_493 = tpu.vector_load %arg11[%get3A_491, %get3A_492] {strides = array<i32>} : memref<128x128xf32, #tpu.memory_space<vmem>>, vector<16xf32>,
          %mul3A_494 = arith.mulf %get3A_493, %gather3A_250 : vector<16xf32>
          %swap3A_495 = arith.index_cast %add3A_448 : i32 to index
          %swap3A_496 = arith.constant 96 : index
          %swap3A_497 = tpu.vector_load %arg11[%swap3A_495, %swap3A_496] {strides = array<i32>} : memref<128x128xf32, #tpu.memory_space<vmem>>, vector<16xf32>,
          tpu.vector_store %arg11[%swap3A_495, %swap3A_496], %mul3A_494 {strides = array<i32>} : memref<128x128xf32, #tpu.memory_space<vmem>>, vector<16xf32>,
          %get3A_498 = arith.index_cast %add3A_448 : i32 to index
          %get3A_499 = arith.constant 112 : index
          %get3A_500 = tpu.vector_load %arg11[%get3A_498, %get3A_499] {strides = array<i32>} : memref<128x128xf32, #tpu.memory_space<vmem>>, vector<16xf32>,
          %mul3A_501 = arith.mulf %get3A_500, %gather3A_250 : vector<16xf32>
          %swap3A_502 = arith.index_cast %add3A_448 : i32 to index
          %swap3A_503 = arith.constant 112 : index
          %swap3A_504 = tpu.vector_load %arg11[%swap3A_502, %swap3A_503] {strides = array<i32>} : memref<128x128xf32, #tpu.memory_space<vmem>>, vector<16xf32>,
          tpu.vector_store %arg11[%swap3A_502, %swap3A_503], %mul3A_501 {strides = array<i32>} : memref<128x128xf32, #tpu.memory_space<vmem>>, vector<16xf32>,
          %mul3A_505 = arith.constant 8 : i32
          %mul3A_506 = arith.muli %scan3A_232, %mul3A_505 : i32
          %add3A_507 = arith.constant 4 : i32
          %add3A_508 = arith.addi %mul3A_506, %add3A_507 : i32
          %get3A_509 = arith.index_cast %add3A_508 : i32 to index
          %get3A_510 = arith.constant 0 : index
          %get3A_511 = tpu.vector_load %arg11[%get3A_509, %get3A_510] {strides = array<i32>} : memref<128x128xf32, #tpu.memory_space<vmem>>, vector<16xf32>,
          %mul3A_512 = arith.mulf %get3A_511, %gather3A_254 : vector<16xf32>
          %swap3A_513 = arith.index_cast %add3A_508 : i32 to index
          %swap3A_514 = arith.constant 0 : index
          %swap3A_515 = tpu.vector_load %arg11[%swap3A_513, %swap3A_514] {strides = array<i32>} : memref<128x128xf32, #tpu.memory_space<vmem>>, vector<16xf32>,
          tpu.vector_store %arg11[%swap3A_513, %swap3A_514], %mul3A_512 {strides = array<i32>} : memref<128x128xf32, #tpu.memory_space<vmem>>, vector<16xf32>,
          %get3A_516 = arith.index_cast %add3A_508 : i32 to index
          %get3A_517 = arith.constant 16 : index
          %get3A_518 = tpu.vector_load %arg11[%get3A_516, %get3A_517] {strides = array<i32>} : memref<128x128xf32, #tpu.memory_space<vmem>>, vector<16xf32>,
          %mul3A_519 = arith.mulf %get3A_518, %gather3A_254 : vector<16xf32>
          %swap3A_520 = arith.index_cast %add3A_508 : i32 to index
          %swap3A_521 = arith.constant 16 : index
          %swap3A_522 = tpu.vector_load %arg11[%swap3A_520, %swap3A_521] {strides = array<i32>} : memref<128x128xf32, #tpu.memory_space<vmem>>, vector<16xf32>,
          tpu.vector_store %arg11[%swap3A_520, %swap3A_521], %mul3A_519 {strides = array<i32>} : memref<128x128xf32, #tpu.memory_space<vmem>>, vector<16xf32>,
          %get3A_523 = arith.index_cast %add3A_508 : i32 to index
          %get3A_524 = arith.constant 32 : index
          %get3A_525 = tpu.vector_load %arg11[%get3A_523, %get3A_524] {strides = array<i32>} : memref<128x128xf32, #tpu.memory_space<vmem>>, vector<16xf32>,
          %mul3A_526 = arith.mulf %get3A_525, %gather3A_254 : vector<16xf32>
          %swap3A_527 = arith.index_cast %add3A_508 : i32 to index
          %swap3A_528 = arith.constant 32 : index
          %swap3A_529 = tpu.vector_load %arg11[%swap3A_527, %swap3A_528] {strides = array<i32>} : memref<128x128xf32, #tpu.memory_space<vmem>>, vector<16xf32>,
          tpu.vector_store %arg11[%swap3A_527, %swap3A_528], %mul3A_526 {strides = array<i32>} : memref<128x128xf32, #tpu.memory_space<vmem>>, vector<16xf32>,
          %get3A_530 = arith.index_cast %add3A_508 : i32 to index
          %get3A_531 = arith.constant 48 : index
          %get3A_532 = tpu.vector_load %arg11[%get3A_530, %get3A_531] {strides = array<i32>} : memref<128x128xf32, #tpu.memory_space<vmem>>, vector<16xf32>,
          %mul3A_533 = arith.mulf %get3A_532, %gather3A_254 : vector<16xf32>
          %swap3A_534 = arith.index_cast %add3A_508 : i32 to index
          %swap3A_535 = arith.constant 48 : index
          %swap3A_536 = tpu.vector_load %arg11[%swap3A_534, %swap3A_535] {strides = array<i32>} : memref<128x128xf32, #tpu.memory_space<vmem>>, vector<16xf32>,
          tpu.vector_store %arg11[%swap3A_534, %swap3A_535], %mul3A_533 {strides = array<i32>} : memref<128x128xf32, #tpu.memory_space<vmem>>, vector<16xf32>,
          %get3A_537 = arith.index_cast %add3A_508 : i32 to index
          %get3A_538 = arith.constant 64 : index
          %get3A_539 = tpu.vector_load %arg11[%get3A_537, %get3A_538] {strides = array<i32>} : memref<128x128xf32, #tpu.memory_space<vmem>>, vector<16xf32>,
          %mul3A_540 = arith.mulf %get3A_539, %gather3A_254 : vector<16xf32>
          %swap3A_541 = arith.index_cast %add3A_508 : i32 to index
          %swap3A_542 = arith.constant 64 : index
          %swap3A_543 = tpu.vector_load %arg11[%swap3A_541, %swap3A_542] {strides = array<i32>} : memref<128x128xf32, #tpu.memory_space<vmem>>, vector<16xf32>,
          tpu.vector_store %arg11[%swap3A_541, %swap3A_542], %mul3A_540 {strides = array<i32>} : memref<128x128xf32, #tpu.memory_space<vmem>>, vector<16xf32>,
          %get3A_544 = arith.index_cast %add3A_508 : i32 to index
          %get3A_545 = arith.constant 80 : index
          %get3A_546 = tpu.vector_load %arg11[%get3A_544, %get3A_545] {strides = array<i32>} : memref<128x128xf32, #tpu.memory_space<vmem>>, vector<16xf32>,
          %mul3A_547 = arith.mulf %get3A_546, %gather3A_254 : vector<16xf32>
          %swap3A_548 = arith.index_cast %add3A_508 : i32 to index
          %swap3A_549 = arith.constant 80 : index
          %swap3A_550 = tpu.vector_load %arg11[%swap3A_548, %swap3A_549] {strides = array<i32>} : memref<128x128xf32, #tpu.memory_space<vmem>>, vector<16xf32>,
          tpu.vector_store %arg11[%swap3A_548, %swap3A_549], %mul3A_547 {strides = array<i32>} : memref<128x128xf32, #tpu.memory_space<vmem>>, vector<16xf32>,
          %get3A_551 = arith.index_cast %add3A_508 : i32 to index
          %get3A_552 = arith.constant 96 : index
          %get3A_553 = tpu.vector_load %arg11[%get3A_551, %get3A_552] {strides = array<i32>} : memref<128x128xf32, #tpu.memory_space<vmem>>, vector<16xf32>,
          %mul3A_554 = arith.mulf %get3A_553, %gather3A_254 : vector<16xf32>
          %swap3A_555 = arith.index_cast %add3A_508 : i32 to index
          %swap3A_556 = arith.constant 96 : index
          %swap3A_557 = tpu.vector_load %arg11[%swap3A_555, %swap3A_556] {strides = array<i32>} : memref<128x128xf32, #tpu.memory_space<vmem>>, vector<16xf32>,
          tpu.vector_store %arg11[%swap3A_555, %swap3A_556], %mul3A_554 {strides = array<i32>} : memref<128x128xf32, #tpu.memory_space<vmem>>, vector<16xf32>,
          %get3A_558 = arith.index_cast %add3A_508 : i32 to index
          %get3A_559 = arith.constant 112 : index
          %get3A_560 = tpu.vector_load %arg11[%get3A_558, %get3A_559] {strides = array<i32>} : memref<128x128xf32, #tpu.memory_space<vmem>>, vector<16xf32>,
          %mul3A_561 = arith.mulf %get3A_560, %gather3A_254 : vector<16xf32>
          %swap3A_562 = arith.index_cast %add3A_508 : i32 to index
          %swap3A_563 = arith.constant 112 : index
          %swap3A_564 = tpu.vector_load %arg11[%swap3A_562, %swap3A_563] {strides = array<i32>} : memref<128x128xf32, #tpu.memory_space<vmem>>, vector<16xf32>,
          tpu.vector_store %arg11[%swap3A_562, %swap3A_563], %mul3A_561 {strides = array<i32>} : memref<128x128xf32, #tpu.memory_space<vmem>>, vector<16xf32>,
          %mul3A_565 = arith.constant 8 : i32
          %mul3A_566 = arith.muli %scan3A_232, %mul3A_565 : i32
          %add3A_567 = arith.constant 5 : i32
          %add3A_568 = arith.addi %mul3A_566, %add3A_567 : i32
          %get3A_569 = arith.index_cast %add3A_568 : i32 to index
          %get3A_570 = arith.constant 0 : index
          %get3A_571 = tpu.vector_load %arg11[%get3A_569, %get3A_570] {strides = array<i32>} : memref<128x128xf32, #tpu.memory_space<vmem>>, vector<16xf32>,
          %mul3A_572 = arith.mulf %get3A_571, %gather3A_258 : vector<16xf32>
          %swap3A_573 = arith.index_cast %add3A_568 : i32 to index
          %swap3A_574 = arith.constant 0 : index
          %swap3A_575 = tpu.vector_load %arg11[%swap3A_573, %swap3A_574] {strides = array<i32>} : memref<128x128xf32, #tpu.memory_space<vmem>>, vector<16xf32>,
          tpu.vector_store %arg11[%swap3A_573, %swap3A_574], %mul3A_572 {strides = array<i32>} : memref<128x128xf32, #tpu.memory_space<vmem>>, vector<16xf32>,
          %get3A_576 = arith.index_cast %add3A_568 : i32 to index
          %get3A_577 = arith.constant 16 : index
          %get3A_578 = tpu.vector_load %arg11[%get3A_576, %get3A_577] {strides = array<i32>} : memref<128x128xf32, #tpu.memory_space<vmem>>, vector<16xf32>,
          %mul3A_579 = arith.mulf %get3A_578, %gather3A_258 : vector<16xf32>
          %swap3A_580 = arith.index_cast %add3A_568 : i32 to index
          %swap3A_581 = arith.constant 16 : index
          %swap3A_582 = tpu.vector_load %arg11[%swap3A_580, %swap3A_581] {strides = array<i32>} : memref<128x128xf32, #tpu.memory_space<vmem>>, vector<16xf32>,
          tpu.vector_store %arg11[%swap3A_580, %swap3A_581], %mul3A_579 {strides = array<i32>} : memref<128x128xf32, #tpu.memory_space<vmem>>, vector<16xf32>,
          %get3A_583 = arith.index_cast %add3A_568 : i32 to index
          %get3A_584 = arith.constant 32 : index
          %get3A_585 = tpu.vector_load %arg11[%get3A_583, %get3A_584] {strides = array<i32>} : memref<128x128xf32, #tpu.memory_space<vmem>>, vector<16xf32>,
          %mul3A_586 = arith.mulf %get3A_585, %gather3A_258 : vector<16xf32>
          %swap3A_587 = arith.index_cast %add3A_568 : i32 to index
          %swap3A_588 = arith.constant 32 : index
          %swap3A_589 = tpu.vector_load %arg11[%swap3A_587, %swap3A_588] {strides = array<i32>} : memref<128x128xf32, #tpu.memory_space<vmem>>, vector<16xf32>,
          tpu.vector_store %arg11[%swap3A_587, %swap3A_588], %mul3A_586 {strides = array<i32>} : memref<128x128xf32, #tpu.memory_space<vmem>>, vector<16xf32>,
          %get3A_590 = arith.index_cast %add3A_568 : i32 to index
          %get3A_591 = arith.constant 48 : index
          %get3A_592 = tpu.vector_load %arg11[%get3A_590, %get3A_591] {strides = array<i32>} : memref<128x128xf32, #tpu.memory_space<vmem>>, vector<16xf32>,
          %mul3A_593 = arith.mulf %get3A_592, %gather3A_258 : vector<16xf32>
          %swap3A_594 = arith.index_cast %add3A_568 : i32 to index
          %swap3A_595 = arith.constant 48 : index
          %swap3A_596 = tpu.vector_load %arg11[%swap3A_594, %swap3A_595] {strides = array<i32>} : memref<128x128xf32, #tpu.memory_space<vmem>>, vector<16xf32>,
          tpu.vector_store %arg11[%swap3A_594, %swap3A_595], %mul3A_593 {strides = array<i32>} : memref<128x128xf32, #tpu.memory_space<vmem>>, vector<16xf32>,
          %get3A_597 = arith.index_cast %add3A_568 : i32 to index
          %get3A_598 = arith.constant 64 : index
          %get3A_599 = tpu.vector_load %arg11[%get3A_597, %get3A_598] {strides = array<i32>} : memref<128x128xf32, #tpu.memory_space<vmem>>, vector<16xf32>,
          %mul3A_600 = arith.mulf %get3A_599, %gather3A_258 : vector<16xf32>
          %swap3A_601 = arith.index_cast %add3A_568 : i32 to index
          %swap3A_602 = arith.constant 64 : index
          %swap3A_603 = tpu.vector_load %arg11[%swap3A_601, %swap3A_602] {strides = array<i32>} : memref<128x128xf32, #tpu.memory_space<vmem>>, vector<16xf32>,
          tpu.vector_store %arg11[%swap3A_601, %swap3A_602], %mul3A_600 {strides = array<i32>} : memref<128x128xf32, #tpu.memory_space<vmem>>, vector<16xf32>,
          %get3A_604 = arith.index_cast %add3A_568 : i32 to index
          %get3A_605 = arith.constant 80 : index
          %get3A_606 = tpu.vector_load %arg11[%get3A_604, %get3A_605] {strides = array<i32>} : memref<128x128xf32, #tpu.memory_space<vmem>>, vector<16xf32>,
          %mul3A_607 = arith.mulf %get3A_606, %gather3A_258 : vector<16xf32>
          %swap3A_608 = arith.index_cast %add3A_568 : i32 to index
          %swap3A_609 = arith.constant 80 : index
          %swap3A_610 = tpu.vector_load %arg11[%swap3A_608, %swap3A_609] {strides = array<i32>} : memref<128x128xf32, #tpu.memory_space<vmem>>, vector<16xf32>,
          tpu.vector_store %arg11[%swap3A_608, %swap3A_609], %mul3A_607 {strides = array<i32>} : memref<128x128xf32, #tpu.memory_space<vmem>>, vector<16xf32>,
          %get3A_611 = arith.index_cast %add3A_568 : i32 to index
          %get3A_612 = arith.constant 96 : index
          %get3A_613 = tpu.vector_load %arg11[%get3A_611, %get3A_612] {strides = array<i32>} : memref<128x128xf32, #tpu.memory_space<vmem>>, vector<16xf32>,
          %mul3A_614 = arith.mulf %get3A_613, %gather3A_258 : vector<16xf32>
          %swap3A_615 = arith.index_cast %add3A_568 : i32 to index
          %swap3A_616 = arith.constant 96 : index
          %swap3A_617 = tpu.vector_load %arg11[%swap3A_615, %swap3A_616] {strides = array<i32>} : memref<128x128xf32, #tpu.memory_space<vmem>>, vector<16xf32>,
          tpu.vector_store %arg11[%swap3A_615, %swap3A_616], %mul3A_614 {strides = array<i32>} : memref<128x128xf32, #tpu.memory_space<vmem>>, vector<16xf32>,
          %get3A_618 = arith.index_cast %add3A_568 : i32 to index
          %get3A_619 = arith.constant 112 : index
          %get3A_620 = tpu.vector_load %arg11[%get3A_618, %get3A_619] {strides = array<i32>} : memref<128x128xf32, #tpu.memory_space<vmem>>, vector<16xf32>,
          %mul3A_621 = arith.mulf %get3A_620, %gather3A_258 : vector<16xf32>
          %swap3A_622 = arith.index_cast %add3A_568 : i32 to index
          %swap3A_623 = arith.constant 112 : index
          %swap3A_624 = tpu.vector_load %arg11[%swap3A_622, %swap3A_623] {strides = array<i32>} : memref<128x128xf32, #tpu.memory_space<vmem>>, vector<16xf32>,
          tpu.vector_store %arg11[%swap3A_622, %swap3A_623], %mul3A_621 {strides = array<i32>} : memref<128x128xf32, #tpu.memory_space<vmem>>, vector<16xf32>,
          %mul3A_625 = arith.constant 8 : i32
          %mul3A_626 = arith.muli %scan3A_232, %mul3A_625 : i32
          %add3A_627 = arith.constant 6 : i32
          %add3A_628 = arith.addi %mul3A_626, %add3A_627 : i32
          %get3A_629 = arith.index_cast %add3A_628 : i32 to index
          %get3A_630 = arith.constant 0 : index
          %get3A_631 = tpu.vector_load %arg11[%get3A_629, %get3A_630] {strides = array<i32>} : memref<128x128xf32, #tpu.memory_space<vmem>>, vector<16xf32>,
          %mul3A_632 = arith.mulf %get3A_631, %gather3A_262 : vector<16xf32>
          %swap3A_633 = arith.index_cast %add3A_628 : i32 to index
          %swap3A_634 = arith.constant 0 : index
          %swap3A_635 = tpu.vector_load %arg11[%swap3A_633, %swap3A_634] {strides = array<i32>} : memref<128x128xf32, #tpu.memory_space<vmem>>, vector<16xf32>,
          tpu.vector_store %arg11[%swap3A_633, %swap3A_634], %mul3A_632 {strides = array<i32>} : memref<128x128xf32, #tpu.memory_space<vmem>>, vector<16xf32>,
          %get3A_636 = arith.index_cast %add3A_628 : i32 to index
          %get3A_637 = arith.constant 16 : index
          %get3A_638 = tpu.vector_load %arg11[%get3A_636, %get3A_637] {strides = array<i32>} : memref<128x128xf32, #tpu.memory_space<vmem>>, vector<16xf32>,
          %mul3A_639 = arith.mulf %get3A_638, %gather3A_262 : vector<16xf32>
          %swap3A_640 = arith.index_cast %add3A_628 : i32 to index
          %swap3A_641 = arith.constant 16 : index
          %swap3A_642 = tpu.vector_load %arg11[%swap3A_640, %swap3A_641] {strides = array<i32>} : memref<128x128xf32, #tpu.memory_space<vmem>>, vector<16xf32>,
          tpu.vector_store %arg11[%swap3A_640, %swap3A_641], %mul3A_639 {strides = array<i32>} : memref<128x128xf32, #tpu.memory_space<vmem>>, vector<16xf32>,
          %get3A_643 = arith.index_cast %add3A_628 : i32 to index
          %get3A_644 = arith.constant 32 : index
          %get3A_645 = tpu.vector_load %arg11[%get3A_643, %get3A_644] {strides = array<i32>} : memref<128x128xf32, #tpu.memory_space<vmem>>, vector<16xf32>,
          %mul3A_646 = arith.mulf %get3A_645, %gather3A_262 : vector<16xf32>
          %swap3A_647 = arith.index_cast %add3A_628 : i32 to index
          %swap3A_648 = arith.constant 32 : index
          %swap3A_649 = tpu.vector_load %arg11[%swap3A_647, %swap3A_648] {strides = array<i32>} : memref<128x128xf32, #tpu.memory_space<vmem>>, vector<16xf32>,
          tpu.vector_store %arg11[%swap3A_647, %swap3A_648], %mul3A_646 {strides = array<i32>} : memref<128x128xf32, #tpu.memory_space<vmem>>, vector<16xf32>,
          %get3A_650 = arith.index_cast %add3A_628 : i32 to index
          %get3A_651 = arith.constant 48 : index
          %get3A_652 = tpu.vector_load %arg11[%get3A_650, %get3A_651] {strides = array<i32>} : memref<128x128xf32, #tpu.memory_space<vmem>>, vector<16xf32>,
          %mul3A_653 = arith.mulf %get3A_652, %gather3A_262 : vector<16xf32>
          %swap3A_654 = arith.index_cast %add3A_628 : i32 to index
          %swap3A_655 = arith.constant 48 : index
          %swap3A_656 = tpu.vector_load %arg11[%swap3A_654, %swap3A_655] {strides = array<i32>} : memref<128x128xf32, #tpu.memory_space<vmem>>, vector<16xf32>,
          tpu.vector_store %arg11[%swap3A_654, %swap3A_655], %mul3A_653 {strides = array<i32>} : memref<128x128xf32, #tpu.memory_space<vmem>>, vector<16xf32>,
          %get3A_657 = arith.index_cast %add3A_628 : i32 to index
          %get3A_658 = arith.constant 64 : index
          %get3A_659 = tpu.vector_load %arg11[%get3A_657, %get3A_658] {strides = array<i32>} : memref<128x128xf32, #tpu.memory_space<vmem>>, vector<16xf32>,
          %mul3A_660 = arith.mulf %get3A_659, %gather3A_262 : vector<16xf32>
          %swap3A_661 = arith.index_cast %add3A_628 : i32 to index
          %swap3A_662 = arith.constant 64 : index
          %swap3A_663 = tpu.vector_load %arg11[%swap3A_661, %swap3A_662] {strides = array<i32>} : memref<128x128xf32, #tpu.memory_space<vmem>>, vector<16xf32>,
          tpu.vector_store %arg11[%swap3A_661, %swap3A_662], %mul3A_660 {strides = array<i32>} : memref<128x128xf32, #tpu.memory_space<vmem>>, vector<16xf32>,
          %get3A_664 = arith.index_cast %add3A_628 : i32 to index
          %get3A_665 = arith.constant 80 : index
          %get3A_666 = tpu.vector_load %arg11[%get3A_664, %get3A_665] {strides = array<i32>} : memref<128x128xf32, #tpu.memory_space<vmem>>, vector<16xf32>,
          %mul3A_667 = arith.mulf %get3A_666, %gather3A_262 : vector<16xf32>
          %swap3A_668 = arith.index_cast %add3A_628 : i32 to index
          %swap3A_669 = arith.constant 80 : index
          %swap3A_670 = tpu.vector_load %arg11[%swap3A_668, %swap3A_669] {strides = array<i32>} : memref<128x128xf32, #tpu.memory_space<vmem>>, vector<16xf32>,
          tpu.vector_store %arg11[%swap3A_668, %swap3A_669], %mul3A_667 {strides = array<i32>} : memref<128x128xf32, #tpu.memory_space<vmem>>, vector<16xf32>,
          %get3A_671 = arith.index_cast %add3A_628 : i32 to index
          %get3A_672 = arith.constant 96 : index
          %get3A_673 = tpu.vector_load %arg11[%get3A_671, %get3A_672] {strides = array<i32>} : memref<128x128xf32, #tpu.memory_space<vmem>>, vector<16xf32>,
          %mul3A_674 = arith.mulf %get3A_673, %gather3A_262 : vector<16xf32>
          %swap3A_675 = arith.index_cast %add3A_628 : i32 to index
          %swap3A_676 = arith.constant 96 : index
          %swap3A_677 = tpu.vector_load %arg11[%swap3A_675, %swap3A_676] {strides = array<i32>} : memref<128x128xf32, #tpu.memory_space<vmem>>, vector<16xf32>,
          tpu.vector_store %arg11[%swap3A_675, %swap3A_676], %mul3A_674 {strides = array<i32>} : memref<128x128xf32, #tpu.memory_space<vmem>>, vector<16xf32>,
          %get3A_678 = arith.index_cast %add3A_628 : i32 to index
          %get3A_679 = arith.constant 112 : index
          %get3A_680 = tpu.vector_load %arg11[%get3A_678, %get3A_679] {strides = array<i32>} : memref<128x128xf32, #tpu.memory_space<vmem>>, vector<16xf32>,
          %mul3A_681 = arith.mulf %get3A_680, %gather3A_262 : vector<16xf32>
          %swap3A_682 = arith.index_cast %add3A_628 : i32 to index
          %swap3A_683 = arith.constant 112 : index
          %swap3A_684 = tpu.vector_load %arg11[%swap3A_682, %swap3A_683] {strides = array<i32>} : memref<128x128xf32, #tpu.memory_space<vmem>>, vector<16xf32>,
          tpu.vector_store %arg11[%swap3A_682, %swap3A_683], %mul3A_681 {strides = array<i32>} : memref<128x128xf32, #tpu.memory_space<vmem>>, vector<16xf32>,
          %mul3A_685 = arith.constant 8 : i32
          %mul3A_686 = arith.muli %scan3A_232, %mul3A_685 : i32
          %add3A_687 = arith.constant 7 : i32
          %add3A_688 = arith.addi %mul3A_686, %add3A_687 : i32
          %get3A_689 = arith.index_cast %add3A_688 : i32 to index
          %get3A_690 = arith.constant 0 : index
          %get3A_691 = tpu.vector_load %arg11[%get3A_689, %get3A_690] {strides = array<i32>} : memref<128x128xf32, #tpu.memory_space<vmem>>, vector<16xf32>,
          %mul3A_692 = arith.mulf %get3A_691, %gather3A_266 : vector<16xf32>
          %swap3A_693 = arith.index_cast %add3A_688 : i32 to index
          %swap3A_694 = arith.constant 0 : index
          %swap3A_695 = tpu.vector_load %arg11[%swap3A_693, %swap3A_694] {strides = array<i32>} : memref<128x128xf32, #tpu.memory_space<vmem>>, vector<16xf32>,
          tpu.vector_store %arg11[%swap3A_693, %swap3A_694], %mul3A_692 {strides = array<i32>} : memref<128x128xf32, #tpu.memory_space<vmem>>, vector<16xf32>,
          %get3A_696 = arith.index_cast %add3A_688 : i32 to index
          %get3A_697 = arith.constant 16 : index
          %get3A_698 = tpu.vector_load %arg11[%get3A_696, %get3A_697] {strides = array<i32>} : memref<128x128xf32, #tpu.memory_space<vmem>>, vector<16xf32>,
          %mul3A_699 = arith.mulf %get3A_698, %gather3A_266 : vector<16xf32>
          %swap3A_700 = arith.index_cast %add3A_688 : i32 to index
          %swap3A_701 = arith.constant 16 : index
          %swap3A_702 = tpu.vector_load %arg11[%swap3A_700, %swap3A_701] {strides = array<i32>} : memref<128x128xf32, #tpu.memory_space<vmem>>, vector<16xf32>,
          tpu.vector_store %arg11[%swap3A_700, %swap3A_701], %mul3A_699 {strides = array<i32>} : memref<128x128xf32, #tpu.memory_space<vmem>>, vector<16xf32>,
          %get3A_703 = arith.index_cast %add3A_688 : i32 to index
          %get3A_704 = arith.constant 32 : index
          %get3A_705 = tpu.vector_load %arg11[%get3A_703, %get3A_704] {strides = array<i32>} : memref<128x128xf32, #tpu.memory_space<vmem>>, vector<16xf32>,
          %mul3A_706 = arith.mulf %get3A_705, %gather3A_266 : vector<16xf32>
          %swap3A_707 = arith.index_cast %add3A_688 : i32 to index
          %swap3A_708 = arith.constant 32 : index
          %swap3A_709 = tpu.vector_load %arg11[%swap3A_707, %swap3A_708] {strides = array<i32>} : memref<128x128xf32, #tpu.memory_space<vmem>>, vector<16xf32>,
          tpu.vector_store %arg11[%swap3A_707, %swap3A_708], %mul3A_706 {strides = array<i32>} : memref<128x128xf32, #tpu.memory_space<vmem>>, vector<16xf32>,
          %get3A_710 = arith.index_cast %add3A_688 : i32 to index
          %get3A_711 = arith.constant 48 : index
          %get3A_712 = tpu.vector_load %arg11[%get3A_710, %get3A_711] {strides = array<i32>} : memref<128x128xf32, #tpu.memory_space<vmem>>, vector<16xf32>,
          %mul3A_713 = arith.mulf %get3A_712, %gather3A_266 : vector<16xf32>
          %swap3A_714 = arith.index_cast %add3A_688 : i32 to index
          %swap3A_715 = arith.constant 48 : index
          %swap3A_716 = tpu.vector_load %arg11[%swap3A_714, %swap3A_715] {strides = array<i32>} : memref<128x128xf32, #tpu.memory_space<vmem>>, vector<16xf32>,
          tpu.vector_store %arg11[%swap3A_714, %swap3A_715], %mul3A_713 {strides = array<i32>} : memref<128x128xf32, #tpu.memory_space<vmem>>, vector<16xf32>,
          %get3A_717 = arith.index_cast %add3A_688 : i32 to index
          %get3A_718 = arith.constant 64 : index
          %get3A_719 = tpu.vector_load %arg11[%get3A_717, %get3A_718] {strides = array<i32>} : memref<128x128xf32, #tpu.memory_space<vmem>>, vector<16xf32>,
          %mul3A_720 = arith.mulf %get3A_719, %gather3A_266 : vector<16xf32>
          %swap3A_721 = arith.index_cast %add3A_688 : i32 to index
          %swap3A_722 = arith.constant 64 : index
          %swap3A_723 = tpu.vector_load %arg11[%swap3A_721, %swap3A_722] {strides = array<i32>} : memref<128x128xf32, #tpu.memory_space<vmem>>, vector<16xf32>,
          tpu.vector_store %arg11[%swap3A_721, %swap3A_722], %mul3A_720 {strides = array<i32>} : memref<128x128xf32, #tpu.memory_space<vmem>>, vector<16xf32>,
          %get3A_724 = arith.index_cast %add3A_688 : i32 to index
          %get3A_725 = arith.constant 80 : index
          %get3A_726 = tpu.vector_load %arg11[%get3A_724, %get3A_725] {strides = array<i32>} : memref<128x128xf32, #tpu.memory_space<vmem>>, vector<16xf32>,
          %mul3A_727 = arith.mulf %get3A_726, %gather3A_266 : vector<16xf32>
          %swap3A_728 = arith.index_cast %add3A_688 : i32 to index
          %swap3A_729 = arith.constant 80 : index
          %swap3A_730 = tpu.vector_load %arg11[%swap3A_728, %swap3A_729] {strides = array<i32>} : memref<128x128xf32, #tpu.memory_space<vmem>>, vector<16xf32>,
          tpu.vector_store %arg11[%swap3A_728, %swap3A_729], %mul3A_727 {strides = array<i32>} : memref<128x128xf32, #tpu.memory_space<vmem>>, vector<16xf32>,
          %get3A_731 = arith.index_cast %add3A_688 : i32 to index
          %get3A_732 = arith.constant 96 : index
          %get3A_733 = tpu.vector_load %arg11[%get3A_731, %get3A_732] {strides = array<i32>} : memref<128x128xf32, #tpu.memory_space<vmem>>, vector<16xf32>,
          %mul3A_734 = arith.mulf %get3A_733, %gather3A_266 : vector<16xf32>
          %swap3A_735 = arith.index_cast %add3A_688 : i32 to index
          %swap3A_736 = arith.constant 96 : index
          %swap3A_737 = tpu.vector_load %arg11[%swap3A_735, %swap3A_736] {strides = array<i32>} : memref<128x128xf32, #tpu.memory_space<vmem>>, vector<16xf32>,
          tpu.vector_store %arg11[%swap3A_735, %swap3A_736], %mul3A_734 {strides = array<i32>} : memref<128x128xf32, #tpu.memory_space<vmem>>, vector<16xf32>,
          %get3A_738 = arith.index_cast %add3A_688 : i32 to index
          %get3A_739 = arith.constant 112 : index
          %get3A_740 = tpu.vector_load %arg11[%get3A_738, %get3A_739] {strides = array<i32>} : memref<128x128xf32, #tpu.memory_space<vmem>>, vector<16xf32>,
          %mul3A_741 = arith.mulf %get3A_740, %gather3A_266 : vector<16xf32>
          %swap3A_742 = arith.index_cast %add3A_688 : i32 to index
          %swap3A_743 = arith.constant 112 : index
          %swap3A_744 = tpu.vector_load %arg11[%swap3A_742, %swap3A_743] {strides = array<i32>} : memref<128x128xf32, #tpu.memory_space<vmem>>, vector<16xf32>,
          tpu.vector_store %arg11[%swap3A_742, %swap3A_743], %mul3A_741 {strides = array<i32>} : memref<128x128xf32, #tpu.memory_space<vmem>>, vector<16xf32>,
          %scan3A_745 = arith.constant 0 : i32
          scf.yield %scan3A_745 : i32
        }
        %scan3A_230 = arith.constant 16 : i32
        "tpu.region"() ({
          %run_scoped3A = tpu.sem_alloc : memref<!tpu.dma_semaphore, #tpu.memory_space<semaphore_mem>>
          %dma_start3A_232 = arith.constant 0 : i32
          %dma_start3A_233 = tpu.memref_slice %arg8[%add3A_221, %dma_start3A_232] : memref<16x128xi32, #tpu.memory_space<vmem>> -> memref<1x128xi32, #tpu.memory_space<vmem>>
          %dma_start3A_234 = tpu.memref_squeeze %dma_start3A_233 : memref<1x128xi32, #tpu.memory_space<vmem>> -> memref<128xi32, #tpu.memory_space<vmem>>
          %dma_start3A_235 = arith.constant 0 : i32
          %dma_start3A_236 = arith.constant 0 : i32
          %dma_start3A_237 = tpu.memref_slice %arg12[%dma_start3A_235, %dma_start3A_236] : memref<10240x128xf32, #tpu.memory_space<vmem_shared>> -> memref<10240x128xf32, #tpu.memory_space<vmem_shared>>
          tpu.enqueue_indirect_dma source(%arg11 : memref<128x128xf32, #tpu.memory_space<vmem>>) target(%dma_start3A_237 : memref<10240x128xf32, #tpu.memory_space<vmem_shared>>) offsets(%dma_start3A_234 : memref<128xi32, #tpu.memory_space<vmem>>) semaphore(%run_scoped3A : memref<!tpu.dma_semaphore, #tpu.memory_space<semaphore_mem>>) {add = true}
          %dma_wait3A_238 = arith.constant 0 : i32
          %dma_wait3A_239 = tpu.memref_slice %arg8[%add3A_221, %dma_wait3A_238] : memref<16x128xi32, #tpu.memory_space<vmem>> -> memref<1x128xi32, #tpu.memory_space<vmem>>
          %dma_wait3A_240 = tpu.memref_squeeze %dma_wait3A_239 : memref<1x128xi32, #tpu.memory_space<vmem>> -> memref<128xi32, #tpu.memory_space<vmem>>
          %dma_wait3A_241 = arith.constant 0 : i32
          %dma_wait3A_242 = arith.constant 0 : i32
          %dma_wait3A_243 = tpu.memref_slice %arg12[%dma_wait3A_241, %dma_wait3A_242] : memref<10240x128xf32, #tpu.memory_space<vmem_shared>> -> memref<10240x128xf32, #tpu.memory_space<vmem_shared>>
          tpu.wait_indirect_dma semaphore(%run_scoped3A : memref<!tpu.dma_semaphore, #tpu.memory_space<semaphore_mem>>) src(%arg11 : memref<128x128xf32, #tpu.memory_space<vmem>>) dst(%dma_wait3A_243 : memref<10240x128xf32, #tpu.memory_space<vmem_shared>>)
          tpu.yield
        }) : () -> ()
        %scan3A_231 = arith.constant 0 : i32
        scf.yield %scan3A_231 : i32
      }
      %scan3A_167 = arith.constant 4 : i32
      %scan3A_168 = arith.constant 0 : i32
      scf.yield %scan3A_168 : i32
    }
    %scan3A_54 = arith.constant 10 : i32
    %dma_wait3A = arith.constant 80 : i32
    %dma_wait3A_55 = arith.constant 0 : i32
    %dma_wait3A_56 = tpu.memref_slice %arg7[%dma_wait3A, %dma_wait3A_55] : memref<82x128xi32, #tpu.memory_space<vmem>> -> memref<1x128xi32, #tpu.memory_space<vmem>>
    %dma_wait3A_57 = tpu.memref_squeeze %dma_wait3A_56 : memref<1x128xi32, #tpu.memory_space<vmem>> -> memref<128xi32, #tpu.memory_space<vmem>>
    %dma_wait3A_58 = arith.constant 0 : i32
    %dma_wait3A_59 = arith.constant 0 : i32
    %dma_wait3A_60 = tpu.memref_slice %arg2[%dma_wait3A_58, %dma_wait3A_59] : memref<10000x128xf32, #tpu.memory_space<hbm>> -> memref<10000x128xf32, #tpu.memory_space<hbm>>
    tpu.wait_indirect_dma semaphore(%arg13 : memref<!tpu.dma_semaphore, #tpu.memory_space<semaphore_mem>>) src(%dma_wait3A_60 : memref<10000x128xf32, #tpu.memory_space<hbm>>) dst(%arg10 : memref<128x128xf32, #tpu.memory_space<vmem>>)
    %rem3A_61 = arith.constant 10 : i32
    %rem3A_62 = arith.constant 2 : i32
    %rem3A_63 = arith.remsi %rem3A_61, %rem3A_62 : i32
    %mul3A_64 = arith.constant 8 : i32
    %mul3A_65 = arith.muli %rem3A_63, %mul3A_64 : i32
    %mul3A_66 = arith.constant 128 : i32
    %mul3A_67 = arith.muli %mul3A_65, %mul3A_66 : i32
    %dma_wait3A_68 = tpu.memref_slice %arg9[%mul3A_67] : memref<2048xf32, #tpu.memory_space<vmem>> -> memref<1024xf32, #tpu.memory_space<vmem>>
    %dma_wait3A_69 = arith.constant 10240 : i32
    %dma_wait3A_70 = tpu.memref_slice %arg5[%add3A, %dma_wait3A_69] : memref<32x12288xf32, #tpu.memory_space<hbm>> -> memref<1x1024xf32, #tpu.memory_space<hbm>>
    %dma_wait3A_71 = tpu.memref_squeeze %dma_wait3A_70 : memref<1x1024xf32, #tpu.memory_space<hbm>> -> memref<1024xf32, #tpu.memory_space<hbm>>
    %dma_wait3A_72 = tpu.memref_slice %arg9[%mul3A_67] : memref<2048xf32, #tpu.memory_space<vmem>> -> memref<1024xf32, #tpu.memory_space<vmem>>
    %dma_wait3A_73 = arith.constant 10240 : i32
    %dma_wait3A_74 = tpu.memref_slice %arg5[%add3A, %dma_wait3A_73] : memref<32x12288xf32, #tpu.memory_space<hbm>> -> memref<1x1024xf32, #tpu.memory_space<hbm>>
    %dma_wait3A_75 = tpu.memref_squeeze %dma_wait3A_74 : memref<1x1024xf32, #tpu.memory_space<hbm>> -> memref<1024xf32, #tpu.memory_space<hbm>>
    tpu.wait_dma2 semaphore(%arg15 : memref<!tpu.dma_semaphore, #tpu.memory_space<semaphore_mem>>) src(%dma_wait3A_75 : memref<1024xf32, #tpu.memory_space<hbm>>) dst(%dma_wait3A_72 : memref<1024xf32, #tpu.memory_space<vmem>>)
    %mul3A_76 = arith.constant 8 : i32
    %mul3A_77 = arith.muli %rem3A_63, %mul3A_76 : i32
    %dma_wait3A_78 = arith.constant 0 : i32
    %dma_wait3A_79 = tpu.memref_slice %arg8[%mul3A_77, %dma_wait3A_78] : memref<16x128xi32, #tpu.memory_space<vmem>> -> memref<8x128xi32, #tpu.memory_space<vmem>>
    %dma_wait3A_80 = arith.constant 80 : i32
    %dma_wait3A_81 = arith.constant 0 : i32
    %dma_wait3A_82 = tpu.memref_slice %arg4[%add3A, %dma_wait3A_80, %dma_wait3A_81] : memref<32x96x128xi32, #tpu.memory_space<hbm>> -> memref<1x8x128xi32, #tpu.memory_space<hbm>>
    %dma_wait3A_83 = tpu.memref_squeeze %dma_wait3A_82 : memref<1x8x128xi32, #tpu.memory_space<hbm>> -> memref<8x128xi32, #tpu.memory_space<hbm>>
    %dma_wait3A_84 = arith.constant 0 : i32
    %dma_wait3A_85 = tpu.memref_slice %arg8[%mul3A_77, %dma_wait3A_84] : memref<16x128xi32, #tpu.memory_space<vmem>> -> memref<8x128xi32, #tpu.memory_space<vmem>>
    %dma_wait3A_86 = arith.constant 80 : i32
    %dma_wait3A_87 = arith.constant 0 : i32
    %dma_wait3A_88 = tpu.memref_slice %arg4[%add3A, %dma_wait3A_86, %dma_wait3A_87] : memref<32x96x128xi32, #tpu.memory_space<hbm>> -> memref<1x8x128xi32, #tpu.memory_space<hbm>>
    %dma_wait3A_89 = tpu.memref_squeeze %dma_wait3A_88 : memref<1x8x128xi32, #tpu.memory_space<hbm>> -> memref<8x128xi32, #tpu.memory_space<hbm>>
    tpu.wait_dma2 semaphore(%arg16 : memref<!tpu.dma_semaphore, #tpu.memory_space<semaphore_mem>>) src(%dma_wait3A_89 : memref<8x128xi32, #tpu.memory_space<hbm>>) dst(%dma_wait3A_85 : memref<8x128xi32, #tpu.memory_space<vmem>>)
    %barrier3A_90 = arith.constant 0 : index
    tpu.barrier barrier_id(%barrier3A_90)
    %mul3A_91 = arith.constant 640 : i32
    %mul3A_92 = arith.muli %arg1, %mul3A_91 : i32
    %mul3A_93 = arith.constant 640 : i32
    %mul3A_94 = arith.muli %arg1, %mul3A_93 : i32
    "tpu.region"() ({
      %run_scoped3A = tpu.sem_alloc : memref<!tpu.dma_semaphore, #tpu.memory_space<semaphore_mem>>
      %dma_start3A_95 = arith.constant 0 : i32
      %dma_start3A_96 = tpu.memref_slice %arg6[%arg0, %mul3A_94, %dma_start3A_95] : memref<2x10240x128xf32, #tpu.memory_space<hbm>> -> memref<1x640x128xf32, #tpu.memory_space<hbm>>
      %dma_start3A_97 = tpu.memref_squeeze %dma_start3A_96 : memref<1x640x128xf32, #tpu.memory_space<hbm>> -> memref<640x128xf32, #tpu.memory_space<hbm>>
      %dma_start3A_98 = arith.constant 0 : i32
      %dma_start3A_99 = tpu.memref_slice %arg12[%mul3A_92, %dma_start3A_98] : memref<10240x128xf32, #tpu.memory_space<vmem_shared>> -> memref<640x128xf32, #tpu.memory_space<vmem_shared>>
      tpu.enqueue_dma source(%dma_start3A_99 : memref<640x128xf32, #tpu.memory_space<vmem_shared>>) target(%dma_start3A_97 : memref<640x128xf32, #tpu.memory_space<hbm>>) target_semaphore(%run_scoped3A : memref<!tpu.dma_semaphore, #tpu.memory_space<semaphore_mem>>)
      %dma_wait3A_100 = arith.constant 0 : i32
      %dma_wait3A_101 = tpu.memref_slice %arg6[%arg0, %mul3A_94, %dma_wait3A_100] : memref<2x10240x128xf32, #tpu.memory_space<hbm>> -> memref<1x640x128xf32, #tpu.memory_space<hbm>>
      %dma_wait3A_102 = tpu.memref_squeeze %dma_wait3A_101 : memref<1x640x128xf32, #tpu.memory_space<hbm>> -> memref<640x128xf32, #tpu.memory_space<hbm>>
      %dma_wait3A_103 = arith.constant 0 : i32
      %dma_wait3A_104 = tpu.memref_slice %arg12[%mul3A_92, %dma_wait3A_103] : memref<10240x128xf32, #tpu.memory_space<vmem_shared>> -> memref<640x128xf32, #tpu.memory_space<vmem_shared>>
      tpu.wait_dma2 semaphore(%run_scoped3A : memref<!tpu.dma_semaphore, #tpu.memory_space<semaphore_mem>>) src(%dma_wait3A_104 : memref<640x128xf32, #tpu.memory_space<vmem_shared>>) dst(%dma_wait3A_102 : memref<640x128xf32, #tpu.memory_space<hbm>>)
      tpu.yield
    }) : () -> ()
    return
  }
}

module attributes {stable_mosaic.version = 14 : i64} {
  func.func @_finish_body(%arg0: i32, %arg1: memref<1000x128xf32, #tpu.memory_space<vmem>>, %arg2: memref<1000x128xf32, #tpu.memory_space<vmem>>, %arg3: memref<1000x1xf32, #tpu.memory_space<vmem>>, %arg4: memref<1000x128xf32, #tpu.memory_space<vmem>>) attributes {dimension_semantics = [#tpu.dimension_semantics<arbitrary>], iteration_bounds = array<i64: 10>, scalar_prefetch = 0 : i64, scratch_operands = 0 : i64, tpu.core_type = #tpu.core_type<tc>, window_params = [{transform_indices = @transform_0, window_bounds = array<i64: 1000, 128>}, {transform_indices = @transform_1, window_bounds = array<i64: 1000, 128>}, {transform_indices = @transform_2, window_bounds = array<i64: 1000, 1>}, {transform_indices = @transform_3, window_bounds = array<i64: 1000, 128>}]} {
    %get3A = arith.constant 0 : index
    %get3A_0 = arith.constant 0 : index
    %get3A_1 = vector.load %arg1[%get3A, %get3A_0] : memref<1000x128xf32, #tpu.memory_space<vmem>>, vector<1000x128xf32>
    %get3A_2 = arith.constant 0 : index
    %get3A_3 = arith.constant 0 : index
    %get3A_4 = vector.load %arg2[%get3A_2, %get3A_3] : memref<1000x128xf32, #tpu.memory_space<vmem>>, vector<1000x128xf32>
    %add3A = arith.addf %get3A_1, %get3A_4 : vector<1000x128xf32>
    %get3A_5 = arith.constant 0 : index
    %get3A_6 = arith.constant 0 : index
    %get3A_7 = vector.load %arg3[%get3A_5, %get3A_6] : memref<1000x1xf32, #tpu.memory_space<vmem>>, vector<1000x1xf32>
    %add3A_8 = vector.broadcast %get3A_7 : vector<1000x1xf32> to vector<1000x128xf32>
    %add3A_9 = arith.addf %add3A, %add3A_8 : vector<1000x128xf32>
    %max3A = arith.constant 0.000000e+00 : f32
    %max3A_10 = vector.broadcast %max3A : f32 to vector<1000x128xf32>
    %max3A_11 = arith.maximumf %add3A_9, %max3A_10 : vector<1000x128xf32>
    %swap3A = arith.constant 0 : index
    %swap3A_12 = arith.constant 0 : index
    %swap3A_13 = vector.load %arg4[%swap3A, %swap3A_12] : memref<1000x128xf32, #tpu.memory_space<vmem>>, vector<1000x128xf32>
    tpu.vector_store %arg4[%swap3A, %swap3A_12], %max3A_11 {strides = array<i32>} : memref<1000x128xf32, #tpu.memory_space<vmem>>, vector<1000x128xf32>,
    return
  }
  func.func @transform_0(%arg0: i32) -> (i32, i32) {
    %c0_i32 = arith.constant 0 : i32
    %c0_i32_0 = arith.constant 0 : i32
    return %arg0, %c0_i32 : i32, i32
  }
  func.func @transform_1(%arg0: i32) -> (i32, i32) {
    %c0_i32 = arith.constant 0 : i32
    %c0_i32_0 = arith.constant 0 : i32
    return %arg0, %c0_i32 : i32, i32
  }
  func.func @transform_2(%arg0: i32) -> (i32, i32) {
    %c0_i32 = arith.constant 0 : i32
    %c0_i32_0 = arith.constant 0 : i32
    return %arg0, %c0_i32 : i32, i32
  }
  func.func @transform_3(%arg0: i32) -> (i32, i32) {
    %c0_i32 = arith.constant 0 : i32
    %c0_i32_0 = arith.constant 0 : i32
    return %arg0, %c0_i32 : i32, i32
  }
}

</mosaic_0001>

<sc_bundles>
// kernel: kernel.4.cloned.1.call-start
scs
__scs_entry_jumppad:
0x0: {  	(pc) =	sbr.rel $0x88, $3  }
0x1: {  	(tag) =	ssettag $0x0;
	lr =	simm.s32 $0x1  }
0x2: {  	[smem:$0x3F9D] =	sst lr;
	_ =	strace $0xD0000000  }
0x3: {  	_ = 	snop  }
0x4: {  	_ = 	snop  }
0x5: {  	_ = 	snop  }
0x6: {  	_ = 	snop  }
0x7: {  	_ = 	snop  }
__scs_overlays_trampoline_lowered:
0x8: {  	[smem:$0x3FAC] =	sst s0  }
0x9: {  	[smem:$0x3FAD] =	sst s1  }
0xa: {  	[smem:$0x3FAE] =	sst s2  }
0xb: {  	[smem:$0x3FAF] =	sst s3  }
0xc: {  	[smem:$0x3FB0] =	sst s4  }
0xd: {  	[smem:$0x3FB1] =	sst s5  }
0xe: {  	[smem:$0x3FB2] =	sst s6  }
0xf: {  	[smem:$0x3FB3] =	sst s7  }
0x10: {  	[smem:$0x3FB4] =	sst s8  }
0x11: {  	[smem:$0x3FB5] =	sst s9;
	s0 =	simm.s32 @!p0 $0x0  }
0x12: {  	s1 =	sld [smem:$0x3F9B];
	s0 =	simm.s32 @p0 $0x1  }
0x13: {  	[smem:$0x3FB6] =	sst s0;
	s0 =	simm.s32 @!p1 $0x0  }
0x14: {  	s2 =	sld [smem:$0x3F9A];
	s0 =	simm.s32 @p1 $0x1  }
0x15: {  	[smem:$0x3FB7] =	sst s0;
	s0 =	simm.s32 @!p2 $0x0  }
0x16: {  	s3 =	sld [smem:$0x3FDB];
	s0 =	simm.s32 @p2 $0x1  }
0x17: {  	s4 =	simm.s32 $0x1BF5;
	[smem:$0x3FB9] =	sst s0  }
0x18: {  	s0 =	sld [smem:$0x3F9C];
	_ =	swait.ge [sflag:s4], $0x0  }
0x19: {  	s7 =	sld [smem:$0x3F9D]  }
0x1a: {  	s8 =	sadd.s32 $0xFFFFE003, lr  }
0x1b: {  	s9 =	sadd.s32 $0xFFFFFEF7, lr;
	s5 =	simm.s32 $0xFFFFFFFF;
	p2 =	slt.u32 s8, $0xFFFFF086  }
0x1c: {  	p1 =	slt.u32 s9, $0xF7A;
	s5 =	simm.s32 @!p2 $0x0  }
0x1d: {  	s5 =	simm.s32 @p1 $0x1;
	p0 =	seq.s32 s7, s2  }
0x1e: {  	s7 =	smul.u32 @!p0 $0xF7A, s2;
	p2 =	seq.s32 @!p0 s5, $0x0  }
0x1f: {  	s9 =	smul.u32 $0xF7A, s1;
	s8 =	simm.s32 @!p0 $0x1BF5;
	p2 =	por !p2, p0  }
0x20: {  	[sflag:s8] =	ssyncset.s32 @!p0 $0xFFFFF086;
	s6 =	sadd.s32 @!p0 s3, s7;
	s7 =	simm.s32 @!p0 $0x108  }
0x21: {  	s3 =	sadd.s32 s3, s9;
	s6 =	sadd.s32 @!p0 $0x88, s6;
	s7 =	simm.s32 @p2 $0x1082  }
0x22: {  	[simem:s7], [sflag:s8] =	dma.local @!p0 [hbm:s6], $0xF7A  }
0x23: {  	s9 =	sor.u32 $0xD0000000, s2;
	s6 =	simm.s32 $0x108;
	_ =	swait.ge @!p0 [sflag:s8], $0x0  }
0x24: {  	s3 =	sadd.s32 $0x88, s3;
	s6 =	simm.s32 @!p1 $0x1082;
	[sflag:s4] =	ssyncset.s32 $0xFFFFF086  }
0x25: {  	[simem:s6], [sflag:s4] =	dma.local [hbm:s3], $0xF7A  }
0x26: {  	[smem:$0x3F9D] =	sst s1;
	(tag) =	ssettag s2;
	_ =	strace s9  }
0x27: {  	s1 =	sld [smem:$0x3FAD]  }
0x28: {  	s2 =	sld [smem:$0x3FAE]  }
0x29: {  	s4 =	sld [smem:$0x3FB0]  }
0x2a: {  	p0 =	seq.s32 s5, $0x0;
	s5 =	sld [smem:$0x3FB1]  }
0x2b: {  	s6 =	sld [smem:$0x3FB2]  }
0x2c: {  	s7 =	sld [smem:$0x3FB3]  }
0x2d: {  	s3 =	simm.s32 $0x108;
	s8 =	sld [smem:$0x3FB4]  }
0x2e: {  	s3 =	simm.s32 @!p0 $0x1082;
	s9 =	sld [smem:$0x3FB5]  }
0x2f: {  	lr =	sadd.s32 s0, s3;
	s0 =	sld [smem:$0x3FAC]  }
0x30: {  	s3 =	sld [smem:$0x3FAF]  }
0x31: {  	[smem:$0x3FB8] =	sst s10  }
0x32: {  	s10 =	sld [smem:$0x3FB6];
	_ =	sdelay $0x3  }
0x33: {  	p0 =	seq.s32 s10, $0x1;
	s10 =	sld [smem:$0x3FB8];
	_ =	sdelay $0x3  }
0x34: {  	[smem:$0x3FB8] =	sst s10  }
0x35: {  	s10 =	sld [smem:$0x3FB7];
	_ =	sdelay $0x3  }
0x36: {  	p1 =	seq.s32 s10, $0x1;
	s10 =	sld [smem:$0x3FB8];
	_ =	sdelay $0x3  }
0x37: {  	[smem:$0x3FB8] =	sst s10  }
0x38: {  	s10 =	sld [smem:$0x3FB9]  }
0x39: {  	_ = 	snop;
	(pc) =	sbr.ind lr, $3  }
0x3a: {  	_ = 	snop  }
0x3b: {  	_ = 	snop  }
0x3c: {  	p2 =	seq.s32 s10, $0x1;
	s10 =	sld [smem:$0x3FB8]  }
0x3d: {  	_ =	shalt  }
0x3e: {  	_ =	shalt  }
0x3f: {  	_ =	shalt  }
0x40: {  	_ =	shalt  }
0x41: {  	_ =	shalt  }
0x42: {  	_ =	shalt  }
0x43: {  	_ =	shalt  }
0x44: {  	_ =	shalt  }
0x45: {  	_ =	shalt  }
0x46: {  	_ =	shalt  }
0x47: {  	_ =	shalt  }
0x48: {  	_ =	shalt  }
0x49: {  	_ =	shalt  }
0x4a: {  	_ =	shalt  }
0x4b: {  	_ =	shalt  }
0x4c: {  	_ =	shalt  }
0x4d: {  	_ =	shalt  }
0x4e: {  	_ =	shalt  }
0x4f: {  	_ =	shalt  }
0x50: {  	_ =	shalt  }
0x51: {  	_ =	shalt  }
0x52: {  	_ =	shalt  }
0x53: {  	_ =	shalt  }
0x54: {  	_ =	shalt  }
0x55: {  	_ =	shalt  }
0x56: {  	_ =	shalt  }
0x57: {  	_ =	shalt  }
0x58: {  	_ =	shalt  }
0x59: {  	_ =	shalt  }
0x5a: {  	_ =	shalt  }
0x5b: {  	_ =	shalt  }
0x5c: {  	_ =	shalt  }
0x5d: {  	_ =	shalt  }
0x5e: {  	_ =	shalt  }
0x5f: {  	_ =	shalt  }
0x60: {  	_ =	shalt  }
0x61: {  	_ =	shalt  }
0x62: {  	_ =	shalt  }
0x63: {  	_ =	shalt  }
0x64: {  	_ =	shalt  }
0x65: {  	_ =	shalt  }
0x66: {  	_ =	shalt  }
0x67: {  	_ =	shalt  }
0x68: {  	_ =	shalt  }
0x69: {  	_ =	shalt  }
0x6a: {  	_ =	shalt  }
0x6b: {  	_ =	shalt  }
0x6c: {  	_ =	shalt  }
0x6d: {  	_ =	shalt  }
0x6e: {  	_ =	shalt  }
0x6f: {  	_ =	shalt  }
0x70: {  	_ =	shalt  }
0x71: {  	_ =	shalt  }
0x72: {  	_ =	shalt  }
0x73: {  	_ =	shalt  }
0x74: {  	_ =	shalt  }
0x75: {  	_ =	shalt  }
0x76: {  	_ =	shalt  }
0x77: {  	_ =	shalt  }
0x78: {  	_ =	shalt  }
0x79: {  	_ =	shalt  }
0x7a: {  	_ =	shalt  }
0x7b: {  	_ =	shalt  }
0x7c: {  	_ =	shalt  }
0x7d: {  	_ =	shalt  }
0x7e: {  	_ =	shalt  }
0x7f: {  	_ =	shalt  }
0x80: {  	_ =	shalt  }
0x81: {  	_ =	shalt  }
0x82: {  	_ =	shalt  }
0x83: {  	_ =	shalt  }
0x84: {  	_ =	shalt  }
0x85: {  	_ =	shalt  }
0x86: {  	_ =	shalt  }
0x87: {  	_ =	shalt  }
.Lfunc_end0:
.L_simem_size_0:
called_computation_lowered:
.L_overlay_start_0:
0x88: {  	s2 =	sld [smem:$0x3FD9]  }
0x89: {  	s3 =	sld [smem:$0x3FFE];
	_ =	sdelay $0x1  }
0x8a: {  	s1 =	srdreg.scid  }
0x8b: {  	s0 =	sand.u32 $0x1, s1  }
0x8c: {  	s17 =	sshll.u32 s0, $0xA;
	s2 =	sadd.s32 s3, s2  }
0x8d: {  	s2 =	sadd.s32 s2, s17  }
0x8e: {  	[smem:$0x3FC4] =	sst s2  }
0x8f: {  	_ = 	snop  }
0x90: {  	s2 =	sld [smem:$0x3FC9]  }
0x91: {  	s18 =	sld [smem:$0x3FD0];
	(tm) =	ssettm $0x1  }
0x92: {  	s4 =	sld [smem:$0x3FFB];
	_ =	sdelay $0x3  }
0x93: {  	_ =	strace s4  }
0x94: {  	s4 =	sld [smem:$0x3FFC];
	_ =	sdelay $0x3  }
0x95: {  	_ =	strace s4  }
0x96: {  	s4 =	sld [smem:$0x3FFD];
	_ =	sdelay $0x3  }
0x97: {  	_ =	strace s4  }
0x98: {  	_ =	strace $0x8FFFFFFF  }
0x99: {  	s19 =	sld [smem:$0x3FDB];
	_ =	sdelay $0x1  }
0x9a: {  	s5 =	simm.s32 $_scs_section_size  }
0x9b: {  	s6 =	simm.s32 $_size__tile_overlayer_lowered;
	s7 =	simm.s32 $_tile_overlayer_lowered  }
0x9c: {  	s22 =	simm.s32 $0x1BFF;
	s21 =	sshll.u32 s7, $0x1;
	s4 =	sadd.s32 s5, s19  }
0x9d: {  	s8 =	simm.s32 $0x0;
	s20 =	sshll.u32 s6, $0x1;
	s6 =	sadd.s32 s21, s4  }
0x9e: {  	[timem:s8], [sflag:s22] =	dma.local [hbm:s6], s20  }
0x9f: {  	_ =	swait.ge [sflag:s22], s20  }
0xa0: {  	s5 =	ssub.s32 $0x0, s20;
	[sflag:s22] =	ssyncset.done $0x0  }
0xa1: {  	[sflag:s22] =	ssyncadd.s32 s5;
	_ =	sdelay $0x1  }
0xa2: {  	s23 =	simm.s32 $0x1B8B  }
0xa3: {  	_ =	swait.ge [sflag:s23], $0x1  }
0xa4: {  	[sflag:s23] =	ssyncset.done $0x0  }
0xa5: {  	s25 =	simm.s32 $0x1B8E;
	s24 =	sld [smem:$0x3FFE];
	[sflag:s23] =	ssyncadd.s32 $0xFFFFFFFF  }
0xa6: {  	s26 =	simm.s32 $execute0_lowered;
	[smem:$0x3FD2] =	sst s25  }
0xa7: {  	s6 =	sshll.u32 s26, $0x1;
	_ =	strace $0x80000046;
	[dreg:$0x1] =	wrdreg $0xFFFFFFFF  }
0xa8: {  	s28 =	simm.s32 $_size_execute0_lowered;
	s4 =	sadd.s32 s4, s6;
	[dreg:$0x0] =	wrdreg $0x0  }
0xa9: {  	s6 =	sshll.u32 s28, $0x1;
	[dreg:$0x2] =	wrdreg s4  }
0xaa: {  	[dreg:$0x3] =	wrdreg s6  }
0xab: {  	[dreg:$0x4] =	wrdreg $0xC0  }
0xac: {  	_ =	task [dreg:s8], $0x5FFFF  }
0xad: {  	[dreg:$0x1] =	wrdreg $0xFFFFFFFF  }
0xae: {  	[dreg:$0x0] =	wrdreg $0x60  }
0xaf: {  	[dreg:$0x2] =	wrdreg s2  }
0xb0: {  	[dreg:$0x3] =	wrdreg s24  }
0xb1: {  	[dreg:$0x4] =	wrdreg s18  }
0xb2: {  	[dreg:$0x5] =	wrdreg $0xBC000  }
0xb3: {  	[dreg:$0x6] =	wrdreg $0x9  }
0xb4: {  	_ =	task.clear_ibuf [dreg:s8], $0x7FFFF;
	_ =	strace $0x90000046  }
0xb5: {  	s29 =	simm.s32 $0x9;
	_ =	strace $0x80000048  }
0xb6: {  	_ =	swait.ge [sflag:s29], $0x1  }
0xb7: {  	[sflag:s29] =	ssyncadd.s32 $0xFFFFFFFF  }
0xb8: {  	_ =	strace $0x90000048  }
0xb9: {  	_ =	sfence  }
0xba: {  	s30 =	sld [smem:$0x0];
	_ =	sdelay $0x2  }
0xbb: {  	s31 =	sshll.u32 s1, $0xD;
	s1 =	sshrl.u32 s1, $0x2  }
0xbc: {  	s3 =	sand.u32 $0x4000, s31;
	s1 =	sadd.s32 s1, s30  }
0xbd: {  	s0 =	sor.u32 s3, s0;
	s1 =	sshll.u32 s1, $0x11  }
0xbe: {  	s0 =	sor.u32 s1, s0  }
0xbf: {  	s0 =	sadd.s32 $0x8F2B, s0  }
0xc0: {  	[sflag:s0] =	ssyncadd.remote.s32 $0x1  }
0xc1: {  	_ =	sfence.sel $0xFFFF  }
0xc2: {  	[dreg:$0x0] =	wrdreg $0xFFFFFFFF;
	(pc) =	sbr.abs _section_cstart, $3  }
0xc3: {  	[dreg:$0x1] =	wrdreg $0xFFFFFFFF  }
0xc4: {  	_ =	task.clear_ibuf [dreg:s8], $0x2FFFF;
	_ =	strace $0x9FFFFFFF  }
0xc5: {  	(tm) =	ssettm $0x7FFFFFFF  }
tec
execute0_lowered:
.L_overlay_start_1:
0x0: {  	(tag) =	ssettag $0x1  }
0x1: {  	s1 =	rddreg [dreg:$0x0]  }
0x2: {  	s0 =	rddreg [dreg:$0x1]  }
0x3: {  	s2 =	rddreg [dreg:$0x2]  }
0x4: {  	s4 =	rddreg [dreg:$0x3]  }
0x5: {  	s3 =	srdreg.scid;
	s11 =	stileid.u32  }
0x6: {  	s8 =	simm.s32 $0x0;
	s3 =	sand.u32 $0x1, s3;
	s7 =	smul.u32 $0x14000, s11  }
0x7: {  	[smem:$0x7FF] =	sst s8;
	s10 =	sshll.u32 s11, $0x7;
	s5 =	sshll.u32 s3, $0x4  }
0x8: {  	s6 =	smul.u32 $0x140000, s3;
	_ =	strace $0x80000047;
	s3 =	ssub.s32 $0x2, s3  }
0x9: {  	s10 =	sand.u32 $0x380, s10;
	s5 =	sor.u32 s11, s5;
	s11 =	smul.u32 $0x50000, s11  }
0xa: {  	s18 =	sshrl.u32 s3, $0x1;
	s17 =	smul.u32 $0x580, s5;
	s6 =	sadd.s32 s7, s6  }
0xb: {  	s9 =	sshrl.u32 s5, $0x3;
	s3 =	ssub.s32 s3, s18;
	s7 =	sshrl.u32 s6, $0x3  }
0xc: {  	s6 =	sadd.s32 $0xB200, s0;
	s9 =	smul.u32 $0x18000, s9;
	s23 =	smax.u32 s3, $0x1  }
0xd: {  	s8 =	sadd.s32 s17, s0;
	s0 =	sadd.s32 s7, s0;
	s7 =	smul.u32 $0x3000, s5  }
0xe: {  	[dreg:$0xa] =	wrdreg s23;
	s19 =	sadd.s32 $0x200, s8;
	s9 =	sor.u32 s10, s9  }
0xf: {  	s0 =	sadd.s32 $0x17200, s0;
	[dreg:$0x5] =	wrdreg s19;
	s20 =	sshrl.u32 s9, $0x3  }
0x10: {  	s21 =	sshrl.u32 s7, $0x3;
	[dreg:$0x9] =	wrdreg s0;
	s5 =	sadd.s32 s6, s20  }
0x11: {  	s22 =	sshrl.u32 s11, $0x2;
	s2 =	sadd.s32 s2, s21;
	[dreg:$0x6] =	wrdreg s5  }
0x12: {  	s28 =	simm.s32 $0x4;
	[dreg:$0x7] =	wrdreg s2;
	s5 =	sadd.s32 s22, s4  }
0x13: {  	s29 =	simm.s32 $0x7C00;
	s24 =	sadd.s32 $0x4000, s5;
	[dreg:$0x8] =	wrdreg s5  }
0x14: {  	s30 =	simm.s32 $0x2;
	s25 =	sadd.s32 $0x8000, s5;
	[dreg:$0xb] =	wrdreg s24  }
0x15: {  	s19 =	simm.s32 $0x5;
	s26 =	sadd.s32 $0xC000, s5;
	[dreg:$0xc] =	wrdreg s25  }
0x16: {  	s20 =	simm.s32 $0x80;
	s31 =	sadd.s32 $0x10000, s5;
	[dreg:$0xd] =	wrdreg s26  }
0x17: {  	s22 =	simm.s32 $0x3400;
	s2 =	simm.s32 $0x0;
	[dreg:$0xe] =	wrdreg s31  }
0x18: {  	v0 =	vimm.f32 $0.0e+00;
	s24 =	simm.s32 $0x3C00;
	s25 =	simm.s32 $0x1;
	s26 =	simm.s32 $0x3  }
.LBB2_1:
0x19: {  	[dreg:$0xf] =	wrdreg s2  }
0x1a: {  	s0 =	simm.s32 $0x0;
	s18 =	rddreg [dreg:$0x5]  }
0x1b: {  	[tilespmem:s0], [sflag:$0x5] =	stream.linear.gather [hbm4b:s18+s0], $0x2900, $0x38;
	[tilespmem:$0x1FC00] =	vst v63  }
0x1c: {  	_ =	swait.ge [sflag:s19], $0x2900  }
0x1d: {  	[sflag:s19] =	ssyncset.done $0x0  }
0x1e: {  	s3 =	simm.s32 $0x400;
	s21 =	rddreg [dreg:$0x6];
	[sflag:s19] =	ssyncadd.s32 $0xFFFFD700  }
0x1f: {  	[tilespmem:s22], [sflag:$0x3] =	stream.strided.gather [hbm4b:s21+s20], $0x400, s3, s20, $0x38;
	[tilespmem:$0x1FC00] =	vst v63  }
0x20: {  	s31 =	simm.s32 $0x2C00;
	s23 =	rddreg [dreg:$0x7]  }
0x21: {  	[tilespmem:s31], [sflag:$0x4] =	stream.linear.gather [hbm4b:s23+s0], $0x400, $0x38;
	[tilespmem:$0x1FC00] =	vst v63  }
0x22: {  	s3 =	simm.s32 $0x200;
	s0 =	simm.s32 $0x0  }
.LBB2_2:
0x23: {  	p0 =	sne.s32 s3, $0xFE00;
	[tilespmem:s0+$0x3C70] =	vst v0  }
0x24: {  	[tilespmem:s0+$0x3C00] =	vst v0  }
0x25: {  	[tilespmem:s0+$0x3C10] =	vst v0  }
.Ltmp0:
0x26: {  	[tilespmem:s0+$0x3C20] =	vst v0;
	(pc) =	sbr.rel @p0 .LBB2_2-.Ltmp0, $4  }
0x27: {  	[tilespmem:s0+$0x3C30] =	vst v0  }
0x28: {  	[tilespmem:s0+$0x3C40] =	vst v0  }
0x29: {  	[tilespmem:s0+$0x3C50] =	vst v0  }
0x2a: {  	[tilespmem:s0+$0x3C60] =	vst v0;
	s0 =	sshra.s32 s3, $0x2;
	s3 =	sadd.s32 $0x200, s3  }
0x2b: {  	[tilespmem:s0+$0x3C70] =	vst v0  }
0x2c: {  	[tilespmem:s0+$0x3C00] =	vst v0  }
0x2d: {  	[tilespmem:s0+$0x3C10] =	vst v0  }
0x2e: {  	[tilespmem:s0+$0x3C20] =	vst v0  }
0x2f: {  	[tilespmem:s0+$0x3C30] =	vst v0  }
0x30: {  	[tilespmem:s0+$0x3C40] =	vst v0  }
0x31: {  	[tilespmem:s0+$0x3C50] =	vst v0  }
0x32: {  	[tilespmem:s0+$0x3C60] =	vst v0  }
0x33: {  	[spmem:s5] =	stream.linear.scatter [tilespmem:s24], [sflag:$0x5], $0x4000, $0x38;
	[tilespmem:$0x1FC00] =	vst v63  }
0x34: {  	_ =	swait.ge [sflag:s19], $0x4000  }
0x35: {  	[sflag:s19] =	ssyncset.done $0x0  }
0x36: {  	s18 =	rddreg [dreg:$0xb];
	[sflag:s19] =	ssyncadd.s32 $0xFFFFC000  }
0x37: {  	[spmem:s18] =	stream.linear.scatter [tilespmem:s24], [sflag:$0x5], $0x4000, $0x38;
	[tilespmem:$0x1FC00] =	vst v63  }
0x38: {  	_ =	swait.ge [sflag:s19], $0x4000  }
0x39: {  	[sflag:s19] =	ssyncset.done $0x0  }
0x3a: {  	s21 =	rddreg [dreg:$0xc];
	[sflag:s19] =	ssyncadd.s32 $0xFFFFC000  }
0x3b: {  	[spmem:s21] =	stream.linear.scatter [tilespmem:s24], [sflag:$0x5], $0x4000, $0x38;
	[tilespmem:$0x1FC00] =	vst v63  }
0x3c: {  	_ =	swait.ge [sflag:s19], $0x4000  }
0x3d: {  	[sflag:s19] =	ssyncset.done $0x0  }
0x3e: {  	s23 =	rddreg [dreg:$0xd];
	[sflag:s19] =	ssyncadd.s32 $0xFFFFC000  }
0x3f: {  	[spmem:s23] =	stream.linear.scatter [tilespmem:s24], [sflag:$0x5], $0x4000, $0x38;
	[tilespmem:$0x1FC00] =	vst v63  }
0x40: {  	_ =	swait.ge [sflag:s19], $0x4000  }
0x41: {  	[sflag:s19] =	ssyncset.done $0x0  }
0x42: {  	s31 =	rddreg [dreg:$0xe];
	[sflag:s19] =	ssyncadd.s32 $0xFFFFC000  }
0x43: {  	[spmem:s31] =	stream.linear.scatter [tilespmem:s24], [sflag:$0x5], $0x4000, $0x38;
	[tilespmem:$0x1FC00] =	vst v63  }
0x44: {  	_ =	swait.ge [sflag:s19], $0x4000  }
0x45: {  	[sflag:s19] =	ssyncset.done $0x0  }
0x46: {  	s0 =	simm.s32 $0x0;
	[sflag:s19] =	ssyncadd.s32 $0xFFFFC000  }
0x47: {  	p0 =	por $0x0, $0x0;
	s23 =	simm.s32 $0x0;
	[bflag:$0x0] =	sbarrier.arrive $0xFFFF  }
0x48: {  	[tilespmem:s24], [sflag:$0x1] =	stream.indirect.gather [hbm4b:s1+s20], $0x80, s0, s20, $0xb8;
	[tilespmem:$0x1FC00] =	vst v63  }
.LBB2_5:
0x49: {  	_ =	swait.ge [sflag:s26], $0x400;
	s3 =	sshll.u32 s23, $0x3  }
0x4a: {  	s23 =	sadd.s32 $0x1, s23;
	s2 =	simm.s32 $0x400;
	[sflag:s26] =	ssyncset.done $0x0  }
0x4b: {  	s5 =	sshll.u32 s23, $0xD;
	s8 =	sshll.u32 s23, $0xA;
	[sflag:s26] =	ssyncadd.s32 $0xFFFFFC00  }
0x4c: {  	s5 =	sadd.s32 s9, s5;
	s10 =	sand.u32 $0x400, s8;
	_ =	swait.ge [sflag:s28], $0x400  }
0x4d: {  	s21 =	sadd.s32 s7, s8;
	s5 =	sshrl.u32 s5, $0x3;
	[sflag:s28] =	ssyncset.done $0x0  }
0x4e: {  	s11 =	sadd.s32 $0x3400, s10;
	s5 =	sadd.s32 s6, s5;
	[sflag:s28] =	ssyncadd.s32 $0xFFFFFC00  }
0x4f: {  	[tilespmem:s11], [sflag:$0x3] =	stream.strided.gather [hbm4b:s5+s20], $0x400, s2, s20, $0x38;
	[tilespmem:$0x1FC00] =	vst v63  }
0x50: {  	s8 =	simm.s32 $0x1;
	s5 =	sshrl.u32 s21, $0x3;
	s31 =	rddreg [dreg:$0x2]  }
0x51: {  	s10 =	sadd.s32 $0x2C00, s10;
	s8 =	simm.s32 @!p0 $0x0;
	s5 =	sadd.s32 s31, s5  }
0x52: {  	[tilespmem:s10], [sflag:$0x4] =	stream.linear.gather [hbm4b:s5+s0], $0x400, $0x38;
	[tilespmem:$0x1FC00] =	vst v63  }
0x53: {  	s5 =	sshll.u32 s8, $0xA;
	s8 =	sand.u32 $0x8, s3;
	s10 =	simm.s32 $0x0  }
.LBB2_6:
0x54: {  	s14 =	sshll.u32 s10, $0x1  }
0x55: {  	s11 =	sadd.s32 s3, s14  }
0x56: {  	s11 =	sshll.u32 s11, $0x7  }
0x57: {  	s11 =	sand.u32 $0x3FFFFF80, s11  }
0x58: {  	s13 =	sadd.s32 $0x80, s11  }
0x59: {  	[tilespmem:s29], [sflag:$0x2] =	stream.indirect.gather [hbm4b:s1+s20], $0x80, s13, s20, $0xb8;
	[tilespmem:$0x1FC00] =	vst v63  }
0x5a: {  	_ =	swait.ge [sflag:s25], $0x4000  }
0x5b: {  	[sflag:s25] =	ssyncset.done $0x0  }
0x5c: {  	s13 =	simm.s32 $0x3E00;
	[sflag:s25] =	ssyncadd.s32 $0xFFFFC000  }
0x5d: {  	v4 =	vld [tilespmem:s13+$0x160]  }
0x5e: {  	v5 =	vld [tilespmem:s13+$0x170]  }
0x5f: {  	v6 =	vld [tilespmem:s13+$0x140]  }
0x60: {  	v7 =	vld [tilespmem:s13+$0x130]  }
0x61: {  	v8 =	vld [tilespmem:s13+$0x120]  }
0x62: {  	v9 =	vld [tilespmem:s13+$0x110]  }
0x63: {  	s15 =	sadd.s32 $0x0, s5;
	v10 =	vld [tilespmem:s13+$0x100]  }
0x64: {  	v2 =	vmov s15;
	v11 =	vld [tilespmem:s13+$0xF0]  }
0x65: {  	v2 =	vand.u32 $0xFFFFFFF8, v2;
	v12 =	vld [tilespmem:s13+$0xE0]  }
0x66: {  	s16 =	sadd.s32 $0x3, s15;
	v2 =	vbroadcast v2, $0x0;
	v13 =	vld [tilespmem:s13+$0x80]  }
0x67: {  	s12 =	sadd.s32 $0x4, s15;
	v1 =	vmov s16;
	v16 =	vld [tilespmem:s13+$0x70]  }
0x68: {  	s18 =	sadd.s32 $0x5, s15;
	v3 =	vmov s12;
	v1 =	vand.u32 $0xFFFFFFFB, v1;
	v17 =	vld [tilespmem:s13+$0x60]  }
0x69: {  	s21 =	sadd.s32 $0x6, s15;
	v15 =	vmov s18;
	v3 =	vand.u32 $0xFFFFFFFC, v3;
	v1 =	vbroadcast v1, $0x0;
	v19 =	vld [tilespmem:s13+$0x1F0]  }
0x6a: {  	v18 =	vmov s21;
	v15 =	vand.u32 $0xFFFFFFFD, v15;
	v3 =	vbroadcast v3, $0x0;
	v21 =	vld [tilespmem:s13+$0x1E0]  }
0x6b: {  	v18 =	vand.u32 $0xFFFFFFFE, v18;
	v20 =	vbroadcast v15, $0x0;
	v23 =	vld [tilespmem:s13+$0x1D0]  }
0x6c: {  	v22 =	vbroadcast v18, $0x0;
	v15 =	vld.idx.msk [tilespmem:v2+s22+$0x0], $0xffff  }
0x6d: {  	v24 =	vld [tilespmem:s13+$0x1C0]  }
0x6e: {  	s17 =	sadd.s32 $0x2, s15;
	v25 =	vld [tilespmem:s13+$0x1B0]  }
0x6f: {  	v14 =	vmov s17;
	v18 =	vld.idx.msk [tilespmem:v1+s22+$0x0], $0xffff  }
0x70: {  	s31 =	sadd.s32 $0x1, s15;
	v14 =	vand.u32 $0xFFFFFFFA, v14;
	v1 =	vld.idx.msk [tilespmem:v3+s22+$0x0], $0xffff  }
0x71: {  	v14 =	vbroadcast v14, $0x0;
	v3 =	vmov s31;
	v2 =	vld.idx.msk [tilespmem:v20+s22+$0x0], $0xffff  }
0x72: {  	s15 =	sadd.s32 $0x7, s15;
	v20 =	vand.u32 $0xFFFFFFF9, v3;
	v3 =	vld.idx.msk [tilespmem:v22+s22+$0x0], $0xffff  }
0x73: {  	v26 =	vld [tilespmem:s13+$0x180];
	v22 =	vmov s15;
	v20 =	vbroadcast v20, $0x0  }
0x74: {  	v27 =	vld [tilespmem:s13+$0x1A0]  }
0x75: {  	v28 =	vld [tilespmem:s13+$0x190]  }
0x76: {  	v29 =	vld [tilespmem:s13+$0x10]  }
0x77: {  	v14 =	vld.idx.msk [tilespmem:v14+s22+$0x0], $0xffff;
	v4 =	vmul.f32 v4, v3  }
0x78: {  	v22 =	vld.idx.msk [tilespmem:v22+s22+$0x0], $0xffff;
	v5 =	vmul.f32 v5, v3  }
0x79: {  	v6 =	vmul.f32 v6, v3;
	v20 =	vld.idx.msk [tilespmem:v20+s22+$0x0], $0xffff;
	[tilespmem:s13+$0x160] =	vst v4  }
0x7a: {  	v30 =	vld [tilespmem:s13+$0x0];
	v4 =	vmul.f32 v7, v3;
	[tilespmem:s13+$0x170] =	vst v5  }
0x7b: {  	v31 =	vld [tilespmem:s13+$0xFFFFFFF0];
	v5 =	vmul.f32 v8, v3;
	[tilespmem:s13+$0x140] =	vst v6  }
0x7c: {  	v32 =	vld [tilespmem:s13+$0xFFFFFFE0];
	v6 =	vmul.f32 v9, v3;
	[tilespmem:s13+$0x130] =	vst v4  }
0x7d: {  	v7 =	vld [tilespmem:s13+$0xFFFFFFB0];
	v4 =	vmul.f32 v10, v3;
	[tilespmem:s13+$0x120] =	vst v5  }
0x7e: {  	v8 =	vld [tilespmem:s13+$0xFFFFFFA0];
	v5 =	vmul.f32 v11, v2;
	[tilespmem:s13+$0x110] =	vst v6  }
0x7f: {  	v9 =	vld [tilespmem:s13+$0xFFFFFF80];
	v6 =	vmul.f32 v12, v2;
	[tilespmem:s13+$0x100] =	vst v4  }
0x80: {  	v33 =	vld [tilespmem:s13+$0xFFFFFFD0];
	v4 =	vmul.f32 v13, v2;
	[tilespmem:s13+$0xF0] =	vst v5  }
0x81: {  	v10 =	vld [tilespmem:s13+$0xFFFFFF70];
	[tilespmem:s13+$0xE0] =	vst v6;
	v6 =	vmul.f32 v23, v22  }
0x82: {  	v11 =	vld [tilespmem:s13+$0xFFFFFF60];
	v7 =	vmul.f32 v7, v18;
	[tilespmem:s13+$0x80] =	vst v4  }
0x83: {  	v12 =	vld [tilespmem:s13+$0xFFFFFE90];
	v8 =	vmul.f32 v8, v18;
	[tilespmem:s13+$0x1D0] =	vst v6  }
0x84: {  	v5 =	vld [tilespmem:s13+$0xFFFFFF90];
	v9 =	vmul.f32 v9, v18;
	[tilespmem:s13+$0xFFFFFFB0] =	vst v7  }
0x85: {  	v4 =	vmul.f32 v21, v22;
	v6 =	vmul.f32 v19, v22;
	v19 =	vld [tilespmem:s13+$0xFFFFFE20];
	[tilespmem:s13+$0xFFFFFFA0] =	vst v8  }
0x86: {  	v7 =	vld [tilespmem:s13+$0xFFFFFF30];
	[tilespmem:s13+$0xFFFFFF80] =	vst v9  }
0x87: {  	v8 =	vld [tilespmem:s13+$0xFFFFFF20];
	v10 =	vmul.f32 v10, v14;
	[tilespmem:s13+$0x1E0] =	vst v4  }
0x88: {  	v11 =	vmul.f32 v11, v14;
	v9 =	vld [tilespmem:s13+$0xFFFFFF00];
	[tilespmem:s13+$0x1F0] =	vst v6  }
0x89: {  	v12 =	vmul.f32 v12, v20;
	v4 =	vld [tilespmem:s13+$0xFFFFFF50];
	[tilespmem:s13+$0xFFFFFF70] =	vst v10  }
0x8a: {  	v6 =	vld [tilespmem:s13+$0xFFFFFF40];
	v5 =	vmul.f32 v5, v18;
	[tilespmem:s13+$0xFFFFFF60] =	vst v11  }
0x8b: {  	v10 =	vld [tilespmem:s13+$0xFFFFFEF0];
	[tilespmem:s13+$0xFFFFFE90] =	vst v12;
	v7 =	vmul.f32 v7, v14  }
0x8c: {  	[tilespmem:s13+$0xFFFFFF90] =	vst v5;
	v5 =	vld [tilespmem:s13+$0xFFFFFF10];
	v8 =	vmul.f32 v8, v14  }
0x8d: {  	v11 =	vld [tilespmem:s13+$0xFFFFFEE0];
	v9 =	vmul.f32 v9, v14;
	[tilespmem:s13+$0xFFFFFF30] =	vst v7  }
0x8e: {  	v4 =	vmul.f32 v4, v14;
	v7 =	vld [tilespmem:s13+$0xFFFFFEB0];
	[tilespmem:s13+$0xFFFFFF20] =	vst v8  }
0x8f: {  	v6 =	vmul.f32 v6, v14;
	v8 =	vld [tilespmem:s13+$0xFFFFFEA0];
	[tilespmem:s13+$0xFFFFFF00] =	vst v9  }
0x90: {  	v10 =	vmul.f32 v10, v20;
	[tilespmem:s13+$0xFFFFFF50] =	vst v4;
	v4 =	vld [tilespmem:s13+$0xFFFFFED0]  }
0x91: {  	[tilespmem:s13+$0xFFFFFF40] =	vst v6;
	v6 =	vld [tilespmem:s13+$0xFFFFFEC0];
	v5 =	vmul.f32 v5, v14  }
0x92: {  	v19 =	vmul.f32 v19, v15;
	v9 =	vld [tilespmem:s13+$0xFFFFFE80];
	[tilespmem:s13+$0xFFFFFEF0] =	vst v10  }
0x93: {  	v10 =	vld [tilespmem:s13+$0xFFFFFE70];
	[tilespmem:s13+$0xFFFFFF10] =	vst v5;
	v5 =	vmul.f32 v11, v20  }
0x94: {  	[tilespmem:s13+$0xFFFFFE20] =	vst v19;
	v14 =	vld [tilespmem:s13+$0xFFFFFE50];
	v13 =	vmul.f32 v7, v20;
	v7 =	vmul.f32 v16, v1  }
0x95: {  	v11 =	vld [tilespmem:s13+$0xFFFFFE60];
	v8 =	vmul.f32 v8, v20;
	v4 =	vmul.f32 v4, v20;
	[tilespmem:s13+$0xFFFFFEE0] =	vst v5  }
0x96: {  	v34 =	vld [tilespmem:s13+$0xFFFFFFC0];
	v6 =	vmul.f32 v6, v20;
	v5 =	vmul.f32 v17, v1;
	[tilespmem:s13+$0xFFFFFEB0] =	vst v13  }
0x97: {  	v16 =	vld [tilespmem:s13+$0xFFFFFE40];
	v13 =	vmul.f32 v9, v20;
	[tilespmem:s13+$0xFFFFFEA0] =	vst v8;
	v8 =	vmul.f32 v29, v1  }
0x98: {  	v17 =	vld [tilespmem:s13+$0xFFFFFE30];
	v10 =	vmul.f32 v10, v15;
	v9 =	vmul.f32 v26, v22;
	[tilespmem:s13+$0xFFFFFED0] =	vst v4  }
0x99: {  	v20 =	vld [tilespmem:s13+$0xFFFFFE10];
	v14 =	vmul.f32 v14, v15;
	[tilespmem:s13+$0xFFFFFEC0] =	vst v6;
	v6 =	vmul.f32 v28, v22  }
0x9a: {  	v26 =	vld [tilespmem:s13+$0xFFFFFE00];
	v4 =	vmul.f32 v27, v22;
	v12 =	vmul.f32 v11, v15;
	[tilespmem:s13+$0xFFFFFE80] =	vst v13  }
0x9b: {  	v11 =	vmul.f32 v30, v1;
	[tilespmem:s13+$0xFFFFFE70] =	vst v10;
	v10 =	vmul.f32 v25, v22;
	v25 =	vld [tilespmem:s13+$0x90]  }
0x9c: {  	v23 =	vld [tilespmem:s13+$0xC0];
	v13 =	vmul.f32 v31, v18;
	[tilespmem:s13+$0xFFFFFE50] =	vst v14;
	v21 =	vmul.f32 v16, v15  }
0x9d: {  	v14 =	vmul.f32 v32, v18;
	v16 =	vld [tilespmem:s13+$0xD0];
	[tilespmem:s13+$0xFFFFFE60] =	vst v12;
	v17 =	vmul.f32 v17, v15  }
0x9e: {  	v12 =	vmul.f32 v24, v22;
	[tilespmem:s13+$0xFFFFFE40] =	vst v21;
	v20 =	vmul.f32 v20, v15;
	v21 =	vld [tilespmem:s13+$0x150]  }
0x9f: {  	s14 =	sor.u32 s8, s14;
	v22 =	vld [tilespmem:s13+$0xB0];
	[tilespmem:s13+$0xFFFFFE30] =	vst v17;
	v17 =	vmul.f32 v33, v18;
	v18 =	vmul.f32 v34, v18  }
0xa0: {  	s14 =	sshll.u32 s14, $0x7;
	s16 =	simm.s32 $0x4200;
	s15 =	simm.s32 $0x8;
	v15 =	vmul.f32 v26, v15;
	[tilespmem:s13+$0xFFFFFE10] =	vst v20;
	v24 =	vmul.f32 v25, v2;
	v20 =	vld [tilespmem:s13+$0xA0]  }
.LBB2_7:
0xa1: {  	s18 =	sadd.s32 s15, s5;
	v19 =	vld [tilespmem:s16+$0x160];
	p1 =	sne.s32 s15, $0x78;
	s15 =	sadd.s32 $0x8, s15;
	[tilespmem:s13+$0xFFFFFFC0] =	vst v18  }
0xa2: {  	v18 =	vmov s18;
	s12 =	sadd.s32 $0x1, s18;
	s31 =	sadd.s32 $0x6, s18;
	s17 =	sadd.s32 $0x7, s18;
	v25 =	vld [tilespmem:s16+$0x170];
	[tilespmem:s13+$0x90] =	vst v24;
	v23 =	vmul.f32 v23, v2  }
0xa3: {  	s2 =	sadd.s32 $0x3, s18;
	s21 =	sadd.s32 $0x4, s18;
	v24 =	vmov s12;
	s12 =	sadd.s32 $0x2, s18;
	v26 =	vmov s31;
	v27 =	vld [tilespmem:s16+$0x140];
	[tilespmem:s13+$0xFFFFFFD0] =	vst v17;
	v3 =	vmul.f32 v21, v3  }
0xa4: {  	v17 =	vand.u32 $0xFFFFFFF8, v18;
	s18 =	sadd.s32 $0x5, s18;
	v18 =	vand.u32 $0xFFFFFFFE, v26;
	v21 =	vld [tilespmem:s16+$0x130];
	v22 =	vmul.f32 v22, v2;
	[tilespmem:s13+$0xC0] =	vst v23  }
0xa5: {  	v23 =	vand.u32 $0xFFFFFFF9, v24;
	v24 =	vmov s12;
	v26 =	vmov s2;
	v28 =	vld [tilespmem:s16+$0x120];
	[tilespmem:s13+$0x150] =	vst v3  }
0xa6: {  	v29 =	vmov s18;
	v3 =	vand.u32 $0xFFFFFFFB, v26;
	v26 =	vmov s21;
	v30 =	vld [tilespmem:s16+$0x110];
	[tilespmem:s13+$0xB0] =	vst v22  }
0xa7: {  	v17 =	vbroadcast v17, $0x0;
	v3 =	vbroadcast v3, $0x0;
	v22 =	vand.u32 $0xFFFFFFFC, v26;
	v26 =	vld [tilespmem:s16+$0x100];
	[tilespmem:s13+$0xFFFFFFE0] =	vst v14  }
0xa8: {  	v14 =	vbroadcast v22, $0x0;
	v22 =	vand.u32 $0xFFFFFFFD, v29;
	v29 =	vld [tilespmem:s16+$0xF0];
	[tilespmem:s13+$0x70] =	vst v7;
	v7 =	vmul.f32 v20, v2  }
0xa9: {  	v20 =	vbroadcast v22, $0x0;
	v22 =	vld [tilespmem:s16+$0xE0];
	[tilespmem:s13+$0xFFFFFFF0] =	vst v13  }
0xaa: {  	v18 =	vbroadcast v18, $0x0;
	v13 =	vand.u32 $0xFFFFFFFA, v24;
	[tilespmem:s13+$0xA0] =	vst v7  }
0xab: {  	v7 =	vbroadcast v13, $0x0;
	v13 =	vld [tilespmem:s13+$0x50];
	[tilespmem:s13+$0x1C0] =	vst v12  }
0xac: {  	v12 =	vld [tilespmem:s13+$0x40];
	[tilespmem:s13+$0x60] =	vst v5  }
0xad: {  	[tilespmem:s13+$0x0] =	vst v11;
	v5 =	vld [tilespmem:s13+$0x30]  }
0xae: {  	v11 =	vld [tilespmem:s13+$0x20];
	[tilespmem:s13+$0x1B0] =	vst v10  }
0xaf: {  	v10 =	vld [tilespmem:s16+$0x80];
	[tilespmem:s13+$0x10] =	vst v8  }
0xb0: {  	v8 =	vld [tilespmem:s16+$0x70];
	v13 =	vmul.f32 v13, v1;
	[tilespmem:s13+$0x180] =	vst v9  }
0xb1: {  	v9 =	vld [tilespmem:s16+$0x60];
	v12 =	vmul.f32 v12, v1;
	[tilespmem:s13+$0x190] =	vst v6  }
0xb2: {  	v5 =	vmul.f32 v5, v1;
	[tilespmem:s13+$0x50] =	vst v13  }
0xb3: {  	v1 =	vmul.f32 v11, v1;
	[tilespmem:s13+$0x40] =	vst v12  }
0xb4: {  	v2 =	vmul.f32 v16, v2;
	[tilespmem:s13+$0x30] =	vst v5  }
0xb5: {  	[tilespmem:s13+$0x20] =	vst v1  }
0xb6: {  	v24 =	vld [tilespmem:s16+$0x1F0];
	[tilespmem:s13+$0xD0] =	vst v2  }
0xb7: {  	v31 =	vld [tilespmem:s16+$0x1E0];
	[tilespmem:s13+$0x1A0] =	vst v4  }
0xb8: {  	v32 =	vld [tilespmem:s16+$0x1D0];
	[tilespmem:s13+$0xFFFFFE00] =	vst v15;
	s13 =	smov.u32 s16  }
0xb9: {  	v33 =	vld.idx.msk [tilespmem:v3+s22+$0x0], $0xffff  }
0xba: {  	v15 =	vld.idx.msk [tilespmem:v17+s22+$0x0], $0xffff  }
0xbb: {  	v1 =	vld.idx.msk [tilespmem:v14+s22+$0x0], $0xffff  }
0xbc: {  	v34 =	vld.idx.msk [tilespmem:v7+s22+$0x0], $0xffff  }
0xbd: {  	v2 =	vld.idx.msk [tilespmem:v20+s22+$0x0], $0xffff  }
0xbe: {  	v3 =	vld.idx.msk [tilespmem:v18+s22+$0x0], $0xffff  }
0xbf: {  	v6 =	vmov s17;
	v4 =	vbroadcast v23, $0x0;
	v12 =	vld [tilespmem:s16+$0x1C0]  }
0xc0: {  	v13 =	vld [tilespmem:s16+$0x1B0]  }
0xc1: {  	v5 =	vmul.f32 v9, v1;
	v7 =	vmul.f32 v8, v1;
	v9 =	vld [tilespmem:s16+$0x180]  }
0xc2: {  	v8 =	vld [tilespmem:s16+$0x1A0]  }
0xc3: {  	v11 =	vld [tilespmem:s16+$0x190]  }
0xc4: {  	v14 =	vmul.f32 v25, v3;
	v20 =	vld.idx.msk [tilespmem:v6+s22+$0x0], $0xffff;
	v6 =	vmul.f32 v19, v3  }
0xc5: {  	v17 =	vmul.f32 v29, v2;
	v16 =	vld.idx.msk [tilespmem:v4+s22+$0x0], $0xffff;
	v4 =	vmul.f32 v27, v3  }
0xc6: {  	v22 =	vmul.f32 v22, v2;
	v19 =	vmul.f32 v10, v2;
	v18 =	vld [tilespmem:s16+$0x10];
	[tilespmem:s16+$0x160] =	vst v6  }
0xc7: {  	v21 =	vmul.f32 v21, v3;
	v6 =	vmul.f32 v28, v3;
	v10 =	vld [tilespmem:s16+$0x0];
	[tilespmem:s16+$0x170] =	vst v14  }
0xc8: {  	v23 =	vmul.f32 v26, v3;
	v25 =	vmul.f32 v30, v3;
	v14 =	vld [tilespmem:s16+$0xFFFFFFF0];
	[tilespmem:s16+$0x140] =	vst v4  }
0xc9: {  	v26 =	vld [tilespmem:s16+$0xFFFFFFE0];
	[tilespmem:s16+$0x130] =	vst v21  }
0xca: {  	v4 =	vmul.f32 v8, v20;
	v21 =	vld [tilespmem:s16+$0xFFFFFFD0];
	[tilespmem:s16+$0x120] =	vst v6;
	v6 =	vmul.f32 v11, v20  }
0xcb: {  	v9 =	vmul.f32 v9, v20;
	v27 =	vld [tilespmem:s16+$0xFFFFFFC0];
	v8 =	vmul.f32 v18, v1;
	[tilespmem:s16+$0x110] =	vst v25  }
0xcc: {  	v25 =	vld [tilespmem:s16+$0xFFFFFFB0];
	v11 =	vmul.f32 v10, v1;
	[tilespmem:s16+$0x100] =	vst v23;
	v10 =	vmul.f32 v13, v20  }
0xcd: {  	v12 =	vmul.f32 v12, v20;
	v23 =	vld [tilespmem:s16+$0xFFFFFFA0];
	v13 =	vmul.f32 v14, v33;
	[tilespmem:s16+$0xF0] =	vst v17  }
0xce: {  	v28 =	vld [tilespmem:s16+$0xFFFFFF90];
	v14 =	vmul.f32 v26, v33;
	[tilespmem:s16+$0xE0] =	vst v22;
	v22 =	vmul.f32 v32, v20  }
0xcf: {  	v26 =	vld [tilespmem:s16+$0xFFFFFF80];
	v17 =	vmul.f32 v21, v33;
	[tilespmem:s16+$0x80] =	vst v19;
	v19 =	vmul.f32 v31, v20  }
0xd0: {  	v20 =	vmul.f32 v24, v20;
	v21 =	vld [tilespmem:s16+$0xFFFFFF70];
	v18 =	vmul.f32 v27, v33;
	[tilespmem:s16+$0x1D0] =	vst v22  }
0xd1: {  	v22 =	vld [tilespmem:s16+$0xFFFFFF60];
	v24 =	vmul.f32 v25, v33;
	[tilespmem:s16+$0x1E0] =	vst v19  }
0xd2: {  	v19 =	vld [tilespmem:s16+$0xFFFFFF50];
	v23 =	vmul.f32 v23, v33;
	[tilespmem:s16+$0x1F0] =	vst v20  }
0xd3: {  	v20 =	vld [tilespmem:s16+$0xFFFFFF40];
	v25 =	vmul.f32 v28, v33;
	[tilespmem:s16+$0xFFFFFFB0] =	vst v24  }
0xd4: {  	v24 =	vld [tilespmem:s16+$0xFFFFFF30];
	v26 =	vmul.f32 v26, v33;
	[tilespmem:s16+$0xFFFFFFA0] =	vst v23  }
0xd5: {  	v23 =	vld [tilespmem:s16+$0xFFFFFF20];
	v21 =	vmul.f32 v21, v34;
	[tilespmem:s16+$0xFFFFFF90] =	vst v25  }
0xd6: {  	v25 =	vld [tilespmem:s16+$0xFFFFFF10];
	v22 =	vmul.f32 v22, v34;
	[tilespmem:s16+$0xFFFFFF80] =	vst v26  }
0xd7: {  	v26 =	vld [tilespmem:s16+$0xFFFFFF00];
	v19 =	vmul.f32 v19, v34;
	[tilespmem:s16+$0xFFFFFF70] =	vst v21  }
0xd8: {  	v21 =	vld [tilespmem:s16+$0xFFFFFEF0];
	v20 =	vmul.f32 v20, v34;
	[tilespmem:s16+$0xFFFFFF60] =	vst v22  }
0xd9: {  	v22 =	vld [tilespmem:s16+$0xFFFFFEE0];
	v24 =	vmul.f32 v24, v34;
	[tilespmem:s16+$0xFFFFFF50] =	vst v19  }
0xda: {  	v19 =	vld [tilespmem:s16+$0xFFFFFED0];
	v23 =	vmul.f32 v23, v34;
	[tilespmem:s16+$0xFFFFFF40] =	vst v20  }
0xdb: {  	v20 =	vld [tilespmem:s16+$0xFFFFFEC0];
	v25 =	vmul.f32 v25, v34;
	[tilespmem:s16+$0xFFFFFF30] =	vst v24  }
0xdc: {  	v24 =	vld [tilespmem:s16+$0xFFFFFEB0];
	v26 =	vmul.f32 v26, v34;
	[tilespmem:s16+$0xFFFFFF20] =	vst v23  }
0xdd: {  	v23 =	vld [tilespmem:s16+$0xFFFFFEA0];
	v21 =	vmul.f32 v21, v16;
	[tilespmem:s16+$0xFFFFFF10] =	vst v25  }
0xde: {  	v25 =	vld [tilespmem:s16+$0xFFFFFE90];
	v22 =	vmul.f32 v22, v16;
	[tilespmem:s16+$0xFFFFFF00] =	vst v26  }
0xdf: {  	v26 =	vld [tilespmem:s16+$0xFFFFFE80];
	v19 =	vmul.f32 v19, v16;
	[tilespmem:s16+$0xFFFFFEF0] =	vst v21  }
0xe0: {  	v21 =	vld [tilespmem:s16+$0xFFFFFE70];
	v20 =	vmul.f32 v20, v16;
	[tilespmem:s16+$0xFFFFFEE0] =	vst v22  }
0xe1: {  	v22 =	vld [tilespmem:s16+$0xFFFFFE60];
	v24 =	vmul.f32 v24, v16;
	[tilespmem:s16+$0xFFFFFED0] =	vst v19  }
0xe2: {  	v19 =	vld [tilespmem:s16+$0xFFFFFE50];
	v23 =	vmul.f32 v23, v16;
	[tilespmem:s16+$0xFFFFFEC0] =	vst v20  }
0xe3: {  	v20 =	vld [tilespmem:s16+$0xFFFFFE40];
	v25 =	vmul.f32 v25, v16;
	[tilespmem:s16+$0xFFFFFEB0] =	vst v24  }
0xe4: {  	v24 =	vld [tilespmem:s16+$0xFFFFFE30];
	v16 =	vmul.f32 v26, v16;
	[tilespmem:s16+$0xFFFFFEA0] =	vst v23  }
0xe5: {  	v23 =	vld [tilespmem:s16+$0xFFFFFE20];
	v21 =	vmul.f32 v21, v15;
	[tilespmem:s16+$0xFFFFFE90] =	vst v25  }
0xe6: {  	v25 =	vld [tilespmem:s16+$0xFFFFFE10];
	v22 =	vmul.f32 v22, v15;
	[tilespmem:s16+$0xFFFFFE80] =	vst v16  }
0xe7: {  	v26 =	vld [tilespmem:s16+$0xFFFFFE00];
	v16 =	vmul.f32 v19, v15;
	[tilespmem:s16+$0xFFFFFE70] =	vst v21  }
0xe8: {  	v19 =	vmul.f32 v20, v15;
	[tilespmem:s16+$0xFFFFFE60] =	vst v22;
	v20 =	vld [tilespmem:s16+$0x90]  }
.Ltmp1:
0xe9: {  	v21 =	vmul.f32 v24, v15;
	[tilespmem:s16+$0xFFFFFE50] =	vst v16;
	v16 =	vld [tilespmem:s16+$0xD0];
	(pc) =	sbr.rel @p1 .LBB2_7-.Ltmp1, $4  }
0xea: {  	v22 =	vmul.f32 v23, v15;
	[tilespmem:s16+$0xFFFFFE40] =	vst v19;
	v23 =	vld [tilespmem:s16+$0xC0]  }
0xeb: {  	v19 =	vmul.f32 v25, v15;
	[tilespmem:s16+$0xFFFFFE30] =	vst v21;
	v21 =	vld [tilespmem:s16+$0x150]  }
0xec: {  	v15 =	vmul.f32 v26, v15;
	[tilespmem:s16+$0xFFFFFE20] =	vst v22;
	v22 =	vld [tilespmem:s16+$0xB0]  }
0xed: {  	s16 =	sadd.s32 $0x400, s16;
	[tilespmem:s13+$0xFFFFFE10] =	vst v19;
	v24 =	vmul.f32 v20, v2;
	v20 =	vld [tilespmem:s13+$0xA0]  }
0xee: {  	[tilespmem:s13+$0xFFFFFFC0] =	vst v18  }
0xef: {  	[tilespmem:s13+$0xFFFFFFD0] =	vst v17  }
0xf0: {  	[tilespmem:s13+$0xFFFFFFE0] =	vst v14  }
0xf1: {  	[tilespmem:s13+$0x70] =	vst v7  }
0xf2: {  	[tilespmem:s13+$0xFFFFFFF0] =	vst v13  }
0xf3: {  	[tilespmem:s13+$0x60] =	vst v5  }
0xf4: {  	[tilespmem:s13+$0x0] =	vst v11  }
0xf5: {  	[tilespmem:s13+$0x1C0] =	vst v12  }
0xf6: {  	[tilespmem:s13+$0x1B0] =	vst v10  }
0xf7: {  	[tilespmem:s13+$0x10] =	vst v8  }
0xf8: {  	[tilespmem:s13+$0x180] =	vst v9  }
0xf9: {  	[tilespmem:s13+$0x190] =	vst v6;
	v3 =	vmul.f32 v21, v3  }
0xfa: {  	[tilespmem:s13+$0x1A0] =	vst v4  }
0xfb: {  	v61 =	vld [tilespmem:s13+$0x50];
	[tilespmem:s13+$0x150] =	vst v3;
	v3 =	vmul.f32 v20, v2  }
0xfc: {  	v62 =	vld [tilespmem:s13+$0x30];
	[tilespmem:s13+$0xFFFFFE00] =	vst v15  }
0xfd: {  	v59 =	vmul.f32 v23, v2;
	[tilespmem:s13+$0xA0] =	vst v3;
	v3 =	vld [tilespmem:s13+$0x40]  }
0xfe: {  	v63 =	vld [tilespmem:s13+$0x20];
	[tilespmem:s13+$0x90] =	vst v24;
	v60 =	vmul.f32 v22, v2  }
0xff: {  	[tilespmem:s13+$0xC0] =	vst v59;
	v2 =	vmul.f32 v16, v2  }
0x100: {  	[tilespmem:s13+$0xB0] =	vst v60;
	v7 =	vmul.f32 v61, v1  }
0x101: {  	v5 =	vmul.f32 v62, v1;
	[tilespmem:s13+$0xD0] =	vst v2  }
0x102: {  	[tilespmem:s13+$0x50] =	vst v7;
	v3 =	vmul.f32 v3, v1  }
0x103: {  	[tilespmem:s13+$0x30] =	vst v5;
	v1 =	vmul.f32 v63, v1  }
0x104: {  	[tilespmem:s13+$0x40] =	vst v3  }
0x105: {  	s2 =	sadd.s32 $0x2C00, s14;
	[tilespmem:s13+$0x20] =	vst v1  }
0x106: {  	[spmem:s4] =	stream.indirect.scatter.add.f32 [tilespmem:s24], [sflag:$0x5], $0x80, s2, s20, $0xb8;
	[tilespmem:$0x1FC00] =	vst v63  }
0x107: {  	_ =	swait.ge [sflag:s19], $0x4000  }
0x108: {  	[sflag:s19] =	ssyncset.done $0x0  }
0x109: {  	s31 =	sadd.s32 $0x100, s11;
	[sflag:s19] =	ssyncadd.s32 $0xFFFFC000  }
0x10a: {  	[tilespmem:s24], [sflag:$0x1] =	stream.indirect.gather [hbm4b:s1+s20], $0x80, s31, s20, $0xb8;
	[tilespmem:$0x1FC00] =	vst v63  }
0x10b: {  	_ =	swait.ge [sflag:s30], $0x4000  }
0x10c: {  	s11 =	sor.u32 $0x80, s14;
	[sflag:s30] =	ssyncset.done $0x0  }
0x10d: {  	s14 =	simm.s32 $0x7E00;
	s13 =	simm.s32 $0x0;
	[sflag:s30] =	ssyncadd.s32 $0xFFFFC000  }
.LBB2_9:
0x10e: {  	s2 =	sadd.s32 s13, s5  }
0x10f: {  	s12 =	sadd.s32 $0x80, s2  }
0x110: {  	s15 =	sadd.s32 $0x81, s2;
	v1 =	vmov s12  }
0x111: {  	v2 =	vmov s15;
	v1 =	vand.u32 $0xFFFFFFF8, v1  }
0x112: {  	s16 =	sadd.s32 $0x82, s2;
	v2 =	vand.u32 $0xFFFFFFF9, v2;
	v1 =	vbroadcast v1, $0x0  }
0x113: {  	s17 =	sadd.s32 $0x83, s2;
	v3 =	vmov s16;
	v2 =	vbroadcast v2, $0x0  }
0x114: {  	s18 =	sadd.s32 $0x84, s2;
	v4 =	vmov s17;
	v3 =	vand.u32 $0xFFFFFFFA, v3  }
0x115: {  	v16 =	vld [tilespmem:s14+$0xFFFFFE00];
	s21 =	sadd.s32 $0x85, s2;
	v5 =	vmov s18;
	v4 =	vand.u32 $0xFFFFFFFB, v4;
	v3 =	vbroadcast v3, $0x0  }
0x116: {  	v17 =	vld [tilespmem:s14+$0xFFFFFE10];
	s31 =	sadd.s32 $0x86, s2;
	v6 =	vmov s21;
	v5 =	vand.u32 $0xFFFFFFFC, v5;
	v4 =	vbroadcast v4, $0x0  }
0x117: {  	v18 =	vld [tilespmem:s14+$0xFFFFFE20];
	v7 =	vmov s31;
	v6 =	vand.u32 $0xFFFFFFFD, v6;
	v5 =	vbroadcast v5, $0x0  }
0x118: {  	v14 =	vand.u32 $0xFFFFFFFE, v7;
	v8 =	vld.idx.msk [tilespmem:v1+s22+$0x0], $0xffff;
	v1 =	vbroadcast v6, $0x0  }
0x119: {  	v15 =	vld.idx.msk [tilespmem:v2+s22+$0x0], $0xffff;
	v2 =	vbroadcast v14, $0x0  }
0x11a: {  	v19 =	vld [tilespmem:s14+$0xFFFFFE30];
	s2 =	sadd.s32 $0x87, s2  }
0x11b: {  	v10 =	vmov s2;
	v9 =	vld.idx.msk [tilespmem:v3+s22+$0x0], $0xffff  }
0x11c: {  	v4 =	vld.idx.msk [tilespmem:v4+s22+$0x0], $0xffff  }
0x11d: {  	v5 =	vld.idx.msk [tilespmem:v5+s22+$0x0], $0xffff  }
0x11e: {  	v6 =	vmul.f32 v16, v8;
	v3 =	vld.idx.msk [tilespmem:v1+s22+$0x0], $0xffff  }
0x11f: {  	v2 =	vld.idx.msk [tilespmem:v2+s22+$0x0], $0xffff  }
0x120: {  	v1 =	vld.idx.msk [tilespmem:v10+s22+$0x0], $0xffff;
	[tilespmem:s14+$0xFFFFFE00] =	vst v6;
	v6 =	vmul.f32 v17, v8  }
0x121: {  	v20 =	vld [tilespmem:s14+$0xFFFFFE40]  }
0x122: {  	[tilespmem:s14+$0xFFFFFE10] =	vst v6;
	v6 =	vmul.f32 v18, v8  }
0x123: {  	v21 =	vld [tilespmem:s14+$0xFFFFFE50]  }
0x124: {  	[tilespmem:s14+$0xFFFFFE20] =	vst v6;
	v6 =	vmul.f32 v19, v8  }
0x125: {  	v22 =	vld [tilespmem:s14+$0xFFFFFE60]  }
0x126: {  	[tilespmem:s14+$0xFFFFFE30] =	vst v6;
	v6 =	vmul.f32 v20, v8  }
0x127: {  	v23 =	vld [tilespmem:s14+$0xFFFFFE70]  }
0x128: {  	[tilespmem:s14+$0xFFFFFE40] =	vst v6;
	v6 =	vmul.f32 v21, v8  }
0x129: {  	v24 =	vld [tilespmem:s14+$0xFFFFFE80]  }
0x12a: {  	[tilespmem:s14+$0xFFFFFE50] =	vst v6;
	v6 =	vmul.f32 v22, v8  }
0x12b: {  	v25 =	vld [tilespmem:s14+$0xFFFFFE90]  }
0x12c: {  	[tilespmem:s14+$0xFFFFFE60] =	vst v6;
	v6 =	vmul.f32 v23, v8  }
0x12d: {  	v26 =	vld [tilespmem:s14+$0xFFFFFEA0]  }
0x12e: {  	[tilespmem:s14+$0xFFFFFE70] =	vst v6;
	v6 =	vmul.f32 v24, v15  }
0x12f: {  	v27 =	vld [tilespmem:s14+$0xFFFFFEB0]  }
0x130: {  	[tilespmem:s14+$0xFFFFFE80] =	vst v6;
	v6 =	vmul.f32 v25, v15  }
0x131: {  	v28 =	vld [tilespmem:s14+$0xFFFFFEC0]  }
0x132: {  	[tilespmem:s14+$0xFFFFFE90] =	vst v6;
	v6 =	vmul.f32 v26, v15  }
0x133: {  	v29 =	vld [tilespmem:s14+$0xFFFFFED0]  }
0x134: {  	[tilespmem:s14+$0xFFFFFEA0] =	vst v6;
	v6 =	vmul.f32 v27, v15  }
0x135: {  	v30 =	vld [tilespmem:s14+$0xFFFFFEE0]  }
0x136: {  	[tilespmem:s14+$0xFFFFFEB0] =	vst v6;
	v6 =	vmul.f32 v28, v15  }
0x137: {  	v31 =	vld [tilespmem:s14+$0xFFFFFEF0]  }
0x138: {  	[tilespmem:s14+$0xFFFFFEC0] =	vst v6;
	v6 =	vmul.f32 v29, v15  }
0x139: {  	v32 =	vld [tilespmem:s14+$0xFFFFFF00]  }
0x13a: {  	[tilespmem:s14+$0xFFFFFED0] =	vst v6;
	v6 =	vmul.f32 v30, v15  }
0x13b: {  	v33 =	vld [tilespmem:s14+$0xFFFFFF10]  }
0x13c: {  	[tilespmem:s14+$0xFFFFFEE0] =	vst v6;
	v6 =	vmul.f32 v31, v15  }
0x13d: {  	v34 =	vld [tilespmem:s14+$0xFFFFFF20]  }
0x13e: {  	[tilespmem:s14+$0xFFFFFEF0] =	vst v6;
	v6 =	vmul.f32 v32, v9  }
0x13f: {  	v35 =	vld [tilespmem:s14+$0xFFFFFF30]  }
0x140: {  	[tilespmem:s14+$0xFFFFFF00] =	vst v6;
	v6 =	vmul.f32 v33, v9  }
0x141: {  	v36 =	vld [tilespmem:s14+$0xFFFFFF40]  }
0x142: {  	[tilespmem:s14+$0xFFFFFF10] =	vst v6;
	v6 =	vmul.f32 v34, v9  }
0x143: {  	v37 =	vld [tilespmem:s14+$0xFFFFFF50]  }
0x144: {  	[tilespmem:s14+$0xFFFFFF20] =	vst v6;
	v6 =	vmul.f32 v35, v9  }
0x145: {  	v38 =	vld [tilespmem:s14+$0xFFFFFF60]  }
0x146: {  	[tilespmem:s14+$0xFFFFFF30] =	vst v6;
	v6 =	vmul.f32 v36, v9  }
0x147: {  	v39 =	vld [tilespmem:s14+$0xFFFFFF70]  }
0x148: {  	[tilespmem:s14+$0xFFFFFF40] =	vst v6;
	v6 =	vmul.f32 v37, v9  }
0x149: {  	v40 =	vld [tilespmem:s14+$0xFFFFFF80]  }
0x14a: {  	[tilespmem:s14+$0xFFFFFF50] =	vst v6;
	v6 =	vmul.f32 v38, v9  }
0x14b: {  	v41 =	vld [tilespmem:s14+$0xFFFFFF90]  }
0x14c: {  	[tilespmem:s14+$0xFFFFFF60] =	vst v6;
	v6 =	vmul.f32 v39, v9  }
0x14d: {  	v42 =	vld [tilespmem:s14+$0xFFFFFFA0]  }
0x14e: {  	[tilespmem:s14+$0xFFFFFF70] =	vst v6;
	v6 =	vmul.f32 v40, v4  }
0x14f: {  	v43 =	vld [tilespmem:s14+$0xFFFFFFB0]  }
0x150: {  	[tilespmem:s14+$0xFFFFFF80] =	vst v6;
	v6 =	vmul.f32 v41, v4  }
0x151: {  	v44 =	vld [tilespmem:s14+$0xFFFFFFC0]  }
0x152: {  	[tilespmem:s14+$0xFFFFFF90] =	vst v6;
	v6 =	vmul.f32 v42, v4  }
0x153: {  	v45 =	vld [tilespmem:s14+$0xFFFFFFD0]  }
0x154: {  	v46 =	vld [tilespmem:s14+$0xFFFFFFE0];
	[tilespmem:s14+$0xFFFFFFA0] =	vst v6;
	v6 =	vmul.f32 v43, v4  }
0x155: {  	v47 =	vld [tilespmem:s14+$0xFFFFFFF0]  }
0x156: {  	[tilespmem:s14+$0xFFFFFFB0] =	vst v6;
	v6 =	vmul.f32 v44, v4  }
0x157: {  	v48 =	vld [tilespmem:s14+$0x0]  }
0x158: {  	[tilespmem:s14+$0xFFFFFFC0] =	vst v6;
	v6 =	vmul.f32 v45, v4  }
0x159: {  	v49 =	vld [tilespmem:s14+$0x10]  }
0x15a: {  	[tilespmem:s14+$0xFFFFFFD0] =	vst v6;
	v6 =	vmul.f32 v46, v4;
	v4 =	vmul.f32 v47, v4  }
0x15b: {  	v50 =	vld [tilespmem:s14+$0x20]  }
0x15c: {  	[tilespmem:s14+$0xFFFFFFF0] =	vst v4;
	v4 =	vmul.f32 v48, v5  }
0x15d: {  	v51 =	vld [tilespmem:s14+$0x30]  }
0x15e: {  	[tilespmem:s14+$0x0] =	vst v4;
	v4 =	vmul.f32 v49, v5  }
0x15f: {  	v52 =	vld [tilespmem:s14+$0x40]  }
0x160: {  	[tilespmem:s14+$0x10] =	vst v4;
	v4 =	vmul.f32 v50, v5  }
0x161: {  	v53 =	vld [tilespmem:s14+$0x50]  }
0x162: {  	[tilespmem:s14+$0x20] =	vst v4;
	v4 =	vmul.f32 v51, v5  }
0x163: {  	v54 =	vld [tilespmem:s14+$0x60]  }
0x164: {  	[tilespmem:s14+$0x30] =	vst v4;
	v4 =	vmul.f32 v52, v5  }
0x165: {  	v55 =	vld [tilespmem:s14+$0x70]  }
0x166: {  	[tilespmem:s14+$0x40] =	vst v4;
	v4 =	vmul.f32 v53, v5  }
0x167: {  	v56 =	vld [tilespmem:s14+$0x80]  }
0x168: {  	[tilespmem:s14+$0x50] =	vst v4;
	v4 =	vmul.f32 v54, v5  }
0x169: {  	v57 =	vld [tilespmem:s14+$0x90]  }
0x16a: {  	[tilespmem:s14+$0x60] =	vst v4;
	v4 =	vmul.f32 v55, v5  }
0x16b: {  	v58 =	vld [tilespmem:s14+$0xA0]  }
0x16c: {  	[tilespmem:s14+$0x70] =	vst v4;
	v4 =	vmul.f32 v56, v3  }
0x16d: {  	v59 =	vld [tilespmem:s14+$0xB0]  }
0x16e: {  	[tilespmem:s14+$0x80] =	vst v4;
	v4 =	vmul.f32 v57, v3  }
0x16f: {  	v60 =	vld [tilespmem:s14+$0xC0]  }
0x170: {  	[tilespmem:s14+$0x90] =	vst v4;
	v4 =	vmul.f32 v58, v3  }
0x171: {  	v61 =	vld [tilespmem:s14+$0xD0]  }
0x172: {  	v62 =	vld [tilespmem:s14+$0xE0];
	[tilespmem:s14+$0xA0] =	vst v4;
	v4 =	vmul.f32 v59, v3  }
0x173: {  	v63 =	vld [tilespmem:s14+$0xF0]  }
0x174: {  	[tilespmem:s14+$0xB0] =	vst v4;
	v4 =	vmul.f32 v60, v3;
	_ =	sdelay $0x1  }
0x175: {  	[tilespmem:s14+$0xC0] =	vst v4;
	v4 =	vmul.f32 v61, v3;
	_ =	sdelay $0x1  }
0x176: {  	[tilespmem:s14+$0xD0] =	vst v4;
	v4 =	vmul.f32 v62, v3;
	v3 =	vmul.f32 v63, v3;
	_ =	sdelay $0x1  }
0x177: {  	[tilespmem:s14+$0xF0] =	vst v3;
	v3 =	vld [tilespmem:s14+$0x100];
	_ =	sdelay $0x4  }
0x178: {  	v3 =	vmul.f32 v3, v2;
	_ =	sdelay $0x1  }
0x179: {  	[tilespmem:s14+$0x100] =	vst v3;
	v3 =	vld [tilespmem:s14+$0x110];
	_ =	sdelay $0x4  }
0x17a: {  	v3 =	vmul.f32 v3, v2;
	_ =	sdelay $0x1  }
0x17b: {  	[tilespmem:s14+$0x110] =	vst v3;
	v3 =	vld [tilespmem:s14+$0x120];
	_ =	sdelay $0x4  }
0x17c: {  	v3 =	vmul.f32 v3, v2;
	_ =	sdelay $0x1  }
0x17d: {  	[tilespmem:s14+$0x120] =	vst v3;
	v3 =	vld [tilespmem:s14+$0x130];
	_ =	sdelay $0x4  }
0x17e: {  	v3 =	vmul.f32 v3, v2;
	_ =	sdelay $0x1  }
0x17f: {  	[tilespmem:s14+$0x130] =	vst v3;
	v3 =	vld [tilespmem:s14+$0x140];
	_ =	sdelay $0x4  }
0x180: {  	v3 =	vmul.f32 v3, v2;
	_ =	sdelay $0x1  }
0x181: {  	[tilespmem:s14+$0x140] =	vst v3;
	v3 =	vld [tilespmem:s14+$0x150];
	_ =	sdelay $0x4  }
0x182: {  	v3 =	vmul.f32 v3, v2;
	_ =	sdelay $0x1  }
0x183: {  	[tilespmem:s14+$0x150] =	vst v3;
	v3 =	vld [tilespmem:s14+$0x160];
	_ =	sdelay $0x4  }
0x184: {  	v3 =	vmul.f32 v3, v2;
	_ =	sdelay $0x1  }
0x185: {  	[tilespmem:s14+$0x160] =	vst v3;
	v3 =	vld [tilespmem:s14+$0x170];
	_ =	sdelay $0x4  }
0x186: {  	v2 =	vmul.f32 v3, v2;
	_ =	sdelay $0x1  }
0x187: {  	[tilespmem:s14+$0x170] =	vst v2;
	v2 =	vld [tilespmem:s14+$0x180];
	_ =	sdelay $0x4  }
0x188: {  	v2 =	vmul.f32 v2, v1;
	_ =	sdelay $0x1  }
0x189: {  	[tilespmem:s14+$0x180] =	vst v2;
	v2 =	vld [tilespmem:s14+$0x190];
	_ =	sdelay $0x4  }
0x18a: {  	v2 =	vmul.f32 v2, v1;
	_ =	sdelay $0x1  }
0x18b: {  	[tilespmem:s14+$0x190] =	vst v2;
	v2 =	vld [tilespmem:s14+$0x1A0];
	_ =	sdelay $0x4  }
0x18c: {  	v2 =	vmul.f32 v2, v1;
	_ =	sdelay $0x1  }
0x18d: {  	[tilespmem:s14+$0x1A0] =	vst v2;
	v2 =	vld [tilespmem:s14+$0x1B0];
	_ =	sdelay $0x4  }
0x18e: {  	v2 =	vmul.f32 v2, v1;
	_ =	sdelay $0x1  }
0x18f: {  	[tilespmem:s14+$0x1B0] =	vst v2;
	v2 =	vld [tilespmem:s14+$0x1C0];
	_ =	sdelay $0x4  }
0x190: {  	v2 =	vmul.f32 v2, v1;
	_ =	sdelay $0x1  }
0x191: {  	[tilespmem:s14+$0x1C0] =	vst v2;
	v2 =	vld [tilespmem:s14+$0x1D0];
	_ =	sdelay $0x4  }
0x192: {  	v2 =	vmul.f32 v2, v1;
	_ =	sdelay $0x1  }
0x193: {  	[tilespmem:s14+$0x1D0] =	vst v2;
	v2 =	vld [tilespmem:s14+$0x1E0];
	_ =	sdelay $0x4  }
0x194: {  	v2 =	vmul.f32 v2, v1;
	_ =	sdelay $0x1  }
0x195: {  	[tilespmem:s14+$0x1E0] =	vst v2;
	v2 =	vld [tilespmem:s14+$0x1F0];
	_ =	sdelay $0x1  }
0x196: {  	p1 =	sne.s32 s13, $0x78  }
.Ltmp2:
0x197: {  	_ = 	snop;
	(pc) =	sbr.rel @p1 .LBB2_9-.Ltmp2, $4  }
0x198: {  	_ = 	snop  }
0x199: {  	[tilespmem:s14+$0xFFFFFFE0] =	vst v6;
	v1 =	vmul.f32 v2, v1  }
0x19a: {  	[tilespmem:s14+$0xE0] =	vst v4  }
0x19b: {  	s13 =	sadd.s32 $0x8, s13;
	[tilespmem:s14+$0x1F0] =	vst v1;
	s14 =	sadd.s32 $0x400, s14  }
0x19c: {  	s10 =	sadd.s32 $0x1, s10  }
0x19d: {  	p1 =	seq.s32 s10, $0x4  }
.Ltmp3:
0x19e: {  	s2 =	sadd.s32 $0x2C00, s11;
	(pc) =	sbr.rel @!p1 .LBB2_6-.Ltmp3, $4  }
0x19f: {  	[spmem:s4] =	stream.indirect.scatter.add.f32 [tilespmem:s29], [sflag:$0x5], $0x80, s2, s20, $0xb8;
	[tilespmem:$0x1FC00] =	vst v63  }
0x1a0: {  	_ =	swait.ge [sflag:s19], $0x4000  }
0x1a1: {  	[sflag:s19] =	ssyncset.done $0x0  }
0x1a2: {  	s5 =	sadd.s32 $0x100, s5;
	[sflag:s19] =	ssyncadd.s32 $0xFFFFC000  }
0x1a3: {  	p1 =	seq.s32 s23, $0xA  }
.Ltmp4:
0x1a4: {  	_ = 	snop;
	(pc) =	sbr.rel @!p1 .LBB2_5-.Ltmp4, $2  }
0x1a5: {  	_ =	sdelay $0x2  }
0x1a6: {  	p0 =	por !p0, !p0  }
0x1a7: {  	_ =	swait.ge [sflag:s25], $0x4000  }
0x1a8: {  	[sflag:s25] =	ssyncset.done $0x0  }
0x1a9: {  	[sflag:s25] =	ssyncadd.s32 $0xFFFFC000  }
0x1aa: {  	_ =	swait.ge [sflag:s26], $0x400  }
0x1ab: {  	[sflag:s26] =	ssyncset.done $0x0  }
0x1ac: {  	[sflag:s26] =	ssyncadd.s32 $0xFFFFFC00  }
0x1ad: {  	_ =	swait.ge [sflag:s28], $0x400  }
0x1ae: {  	[sflag:s28] =	ssyncset.done $0x0  }
0x1af: {  	[sflag:s28] =	ssyncadd.s32 $0xFFFFFC00  }
0x1b0: {  	s0 =	stileid.u32;
	[bflag:$0x0] =	sbarrier.arrive $0xFFFF  }
0x1b1: {  	s0 =	sshll.u32 s0, $0x6;
	s5 =	rddreg [dreg:$0x8]  }
0x1b2: {  	s0 =	sor.u32 $0x1C05, s0;
	s3 =	rddreg [dreg:$0x9];
	s2 =	sshrl.u32 s5, $0x3  }
0x1b3: {  	[hbm:s3], [sflag:s0] =	dma.local [spmem:s2], $0x2800  }
0x1b4: {  	_ =	swait.ge [sflag:s19], $0x2800  }
0x1b5: {  	s23 =	rddreg [dreg:$0xf]  }
0x1b6: {  	s31 =	rddreg [dreg:$0xa];
	s2 =	sadd.s32 $0x1, s23  }
0x1b7: {  	p0 =	sne.s32 s2, s31  }
.Ltmp5:
0x1b8: {  	_ = 	snop;
	(pc) =	sbr.rel @p0 .LBB2_1-.Ltmp5, $3  }
0x1b9: {  	_ =	sdelay $0x1  }
0x1ba: {  	[sflag:s19] =	ssyncset.done $0x0  }
0x1bb: {  	[sflag:s19] =	ssyncadd.s32 $0xFFFFD800  }
0x1bc: {  	_ =	sfence.sel $0x180000  }
0x1bd: {  	[bflag:$0x0] =	sbarrier.arrive $0xFFFF  }
0x1be: {  	_ =	strace $0x90000047  }
0x1bf: {  	s0 =	stileid.u32;
	[bflag:$0x2] =	sbarrier.arrive $0xFFFF  }
0x1c0: {  	p0 =	sne.s32 s0, $0x0;
	s0 =	rddreg [dreg:$0x4]  }
0x1c1: {  	s0 =	sadd.s32 @!p0 $0x100000, s0  }
0x1c2: {  	[sflag:s0] =	ssyncadd.tile.s32 @!p0 $0x1;
	_ =	shalt  }
.Lfunc_end2:
_tile_overlayer_lowered:
.L_overlay_start_2:
0x1c3: {  	(tag) =	ssettag $0x2  }
0x1c4: {  	s0 =	rddreg [dreg:$0x0];
	s2 =	stileid.u32  }
0x1c5: {  	s1 =	rddreg [dreg:$0x1];
	p0 =	sne.s32 s2, $0x0  }
0x1c6: {  	s3 =	rddreg [dreg:$0x2];
	[bflag:$0x3] =	sbarrier.arrive $0xFFFF;
	s2 =	simm.s32 @!p0 $0x1C05  }
0x1c7: {  	[timem:s3], [sflag:s2] =	dma.local @!p0 [hbm:s0], s1  }
0x1c8: {  	s0 =	simm.s32 @!p0 $0x5  }
0x1c9: {  	_ =	swait.ge @!p0 [sflag:s0], s1  }
0x1ca: {  	s1 =	ssub.s32 @!p0 $0x0, s1;
	[sflag:s0] =	ssyncset.done @!p0 $0x0  }
0x1cb: {  	[sflag:s0] =	ssyncadd.s32 @!p0 s1  }
0x1cc: {  	[bflag:$0x3] =	sbarrier.arrive $0xFFFF  }
0x1cd: {  	_ =	shalt  }

</sc_bundles>
